<compile_context>
chip_gen: v7x
topology: tpu7x:2x2x1
jax: 0.10.2.dev20260603
libtpu: 0.0.44.dev20260713+nightly
codegen_flags: <defaults>
</compile_context>

<pallas_src>
import functools

import jax
import jax.numpy as jnp
from jax import lax
from jax.experimental import pallas as pl
from jax.experimental.pallas import tpu as pltpu
from jax.experimental.pallas import tpu_sc as plsc

NC = 2
NS = 16
NW = NC * NS
CHUNK = 128
NBUF = 6


@functools.partial(jax.jit, static_argnames=("n_chunks", "d_embed"))
def _embed_sc(x, w, n_chunks, d_embed):
    n_total = NW * n_chunks * CHUNK
    b_per_w = n_chunks * CHUNK
    seq = x.shape[-1]
    mesh = plsc.VectorSubcoreMesh(core_axis_name="c", subcore_axis_name="s")

    def body(x_hbm, w_hbm, out_hbm, idx1_v, idx_v, rows_v, gsems, wsems):
        wid = lax.axis_index("s") * NC + lax.axis_index("c")
        base = wid * b_per_w
        row = base // seq
        col = base % seq
        pltpu.sync_copy(x_hbm.at[row, pl.ds(col, b_per_w)], idx1_v)

        def repack(j):
            for k in range(j * CHUNK // 16, (j + 1) * CHUNK // 16):
                idx_v[k * 16 // CHUNK, pl.ds((k * 16) % CHUNK, 16)] = (
                    idx1_v[pl.ds(k * 16, 16)])

        def idx_at(j):
            return idx_v.at[j]

        def out_at(j):
            return out_hbm.at[pl.ds(base + j * CHUNK, CHUNK)]

        AHEAD = NBUF
        for j in range(min(AHEAD, n_chunks)):
            repack(j)
            pltpu.async_copy(w_hbm.at[idx_at(j)], rows_v.at[j], gsems.at[j])
        for j in range(min(AHEAD, n_chunks), n_chunks):
            repack(j)
        for j in range(n_chunks):
            b = j % NBUF
            pltpu.make_async_copy(
                w_hbm.at[idx_at(j)], rows_v.at[b], gsems.at[b]).wait()
            pltpu.async_copy(rows_v.at[b], out_at(j), wsems.at[b])
            nj = j + AHEAD
            if nj < n_chunks:
                bb = nj % NBUF
                if nj >= NBUF:
                    pltpu.make_async_copy(rows_v.at[bb], out_at(nj - NBUF),
                                          wsems.at[bb]).wait()
                pltpu.async_copy(w_hbm.at[idx_at(nj)], rows_v.at[bb],
                                 gsems.at[bb])
        for j in range(max(0, n_chunks - NBUF), n_chunks):
            b = j % NBUF
            pltpu.make_async_copy(rows_v.at[b], out_at(j), wsems.at[b]).wait()

    run = pl.kernel(
        body,
        out_type=jax.ShapeDtypeStruct((n_total, d_embed), w.dtype),
        mesh=mesh,
        scratch_types=[
            pltpu.VMEM((b_per_w,), jnp.int32),
            pltpu.VMEM((n_chunks, CHUNK), jnp.int32),
            pltpu.VMEM((NBUF, CHUNK, d_embed), w.dtype),
            pltpu.SemaphoreType.DMA((NBUF,)),
            pltpu.SemaphoreType.DMA((NBUF,)),
        ],
    )
    return run(x, w)


def kernel(x, W_E):
    n_total = x.size
    d_embed = W_E.shape[1]
    assert n_total % (NW * CHUNK) == 0
    b_per_w = n_total // NW
    assert x.shape[-1] % b_per_w == 0
    n_chunks = b_per_w // CHUNK
    out = _embed_sc(x.astype(jnp.int32), W_E, n_chunks, d_embed)
    return out.reshape(x.shape + (d_embed,))

# --- scband reference (transcript-rebuilt; emitter-appended) ---
"""Pipeline reference for scband-embed-39857296507627 (READ-ONLY COPY).

The authoritative reference and input builder live on the scoring server;
editing this copy changes nothing except your own understanding.
"""

import jax, jax.numpy as jnp
import numpy as np

N_VOCAB = 100000
D_EMBED = 128
WEIGHT_ALPHA = 1.0
BATCH = 4
SEQ = 8192


def setup_inputs(seed: int = 0) -> dict:
    key = jax.random.key(seed)
    k_w, k_x = jax.random.split(key)
    W_E = WEIGHT_ALPHA * jax.random.normal(k_w, (N_VOCAB, D_EMBED), dtype=jnp.float32) / np.sqrt(D_EMBED)
    x = jax.random.randint(k_x, (BATCH, SEQ), 0, N_VOCAB, dtype=jnp.int64 if jax.config.read('jax_enable_x64') else jnp.int32)
    return {"x": x, "W_E": W_E}


def reference(x, W_E):
    # Faithful translation of Embed.forward: W_E[x, :]
    return jnp.take(W_E, x, axis=0)

if __name__ == "__main__":
    import jax
    _d = setup_inputs()
    print(jax.jit(kernel)(*tuple(_d.values())))

</pallas_src>

<mosaic_0001>
#map = affine_map<(d0, d1) -> (0, 0)>
module attributes {stable_mosaic.version = 14 : i64} {
  func.func @body(%arg0: i32, %arg1: i32, %arg2: memref<4x8192xi32, #tpu.memory_space<hbm>>, %arg3: memref<100000x128xf32, #tpu.memory_space<hbm>>, %arg4: memref<32768x128xf32, #tpu.memory_space<hbm>>, %arg5: memref<1024xi32, #tpu.memory_space<vmem>>, %arg6: memref<8x128xi32, #tpu.memory_space<vmem>>, %arg7: memref<6x128x128xf32, #tpu.memory_space<vmem>>, %arg8: memref<6x!tpu.dma_semaphore, #tpu.memory_space<semaphore_mem>>, %arg9: memref<6x!tpu.dma_semaphore, #tpu.memory_space<semaphore_mem>>) attributes {dimension_semantics = [#tpu.dimension_semantics<core_parallel>, #tpu.dimension_semantics<subcore_parallel>], iteration_bounds = array<i64: 2, 16>, scalar_prefetch = 0 : i64, scratch_operands = 5 : i64, tpu.core_type = #tpu.core_type<sc_vector_subcore>, window_params = [{transform_indices = #map}, {transform_indices = #map}, {transform_indices = #map}]} {
    %mul3A = arith.constant 2 : i32
    %mul3A_0 = arith.muli %arg1, %mul3A : i32
    %add3A = arith.addi %mul3A_0, %arg0 : i32
    %mul3A_1 = arith.constant 1024 : i32
    %mul3A_2 = arith.muli %add3A, %mul3A_1 : i32
    %jit3A = arith.constant 8192 : i32
    %div3A = arith.divsi %mul3A_2, %jit3A : i32
    %sign3A = arith.constant 0 : i32
    %sign3A_3 = arith.cmpi sgt, %mul3A_2, %sign3A : i32
    %sign3A_4 = arith.extui %sign3A_3 : i1 to i32
    %sign3A_5 = arith.constant 0 : i32
    %sign3A_6 = arith.cmpi slt, %mul3A_2, %sign3A_5 : i32
    %sign3A_7 = arith.extui %sign3A_6 : i1 to i32
    %sign3A_8 = arith.subi %sign3A_4, %sign3A_7 : i32
    %sign3A_9 = arith.constant 0 : i32
    %sign3A_10 = arith.cmpi sgt, %jit3A, %sign3A_9 : i32
    %sign3A_11 = arith.extui %sign3A_10 : i1 to i32
    %sign3A_12 = arith.constant 0 : i32
    %sign3A_13 = arith.cmpi slt, %jit3A, %sign3A_12 : i32
    %sign3A_14 = arith.extui %sign3A_13 : i1 to i32
    %sign3A_15 = arith.subi %sign3A_11, %sign3A_14 : i32
    %ne3A = arith.cmpi ne, %sign3A_8, %sign3A_15 : i32
    %rem3A = arith.remsi %mul3A_2, %jit3A : i32
    %ne3A_16 = arith.constant 0 : i32
    %ne3A_17 = arith.cmpi ne, %rem3A, %ne3A_16 : i32
    %and3A = arith.andi %ne3A, %ne3A_17 : i1
    %sub3A = arith.constant 1 : i32
    %sub3A_18 = arith.subi %div3A, %sub3A : i32
    %select_n3A = arith.select %and3A, %sub3A_18, %div3A : i32
    %jit3A_19 = arith.constant 8192 : i32
    %eq3A = arith.constant 0 : i32
    %eq3A_20 = arith.cmpi eq, %jit3A_19, %eq3A : i32
    %jit3A_21 = arith.constant 1 : i32
    %select_n3A_22 = arith.select %eq3A_20, %jit3A_21, %jit3A_19 : i32
    %rem3A_23 = arith.remsi %mul3A_2, %select_n3A_22 : i32
    %ne3A_24 = arith.constant 0 : i32
    %ne3A_25 = arith.cmpi ne, %rem3A_23, %ne3A_24 : i32
    %lt3A = arith.constant 0 : i32
    %lt3A_26 = arith.cmpi slt, %rem3A_23, %lt3A : i32
    %lt3A_27 = arith.constant 0 : i32
    %lt3A_28 = arith.cmpi slt, %select_n3A_22, %lt3A_27 : i32
    %ne3A_29 = arith.xori %lt3A_26, %lt3A_28 : i1
    %and3A_30 = arith.andi %ne3A_29, %ne3A_25 : i1
    %add3A_31 = arith.addi %rem3A_23, %select_n3A_22 : i32
    %select_n3A_32 = arith.select %and3A_30, %add3A_31, %rem3A_23 : i32
    "tpu.region"() ({
      %run_scoped3A = tpu.sem_alloc : memref<!tpu.dma_semaphore, #tpu.memory_space<semaphore_mem>>
      %dma_start3A_1133 = tpu.memref_slice %arg2[%select_n3A, %select_n3A_32] : memref<4x8192xi32, #tpu.memory_space<hbm>> -> memref<1x1024xi32, #tpu.memory_space<hbm>>
      %dma_start3A_1134 = tpu.memref_squeeze %dma_start3A_1133 : memref<1x1024xi32, #tpu.memory_space<hbm>> -> memref<1024xi32, #tpu.memory_space<hbm>>
      %dma_start3A_1135 = tpu.memref_slice %arg2[%select_n3A, %select_n3A_32] : memref<4x8192xi32, #tpu.memory_space<hbm>> -> memref<1x1024xi32, #tpu.memory_space<hbm>>
      %dma_start3A_1136 = tpu.memref_squeeze %dma_start3A_1135 : memref<1x1024xi32, #tpu.memory_space<hbm>> -> memref<1024xi32, #tpu.memory_space<hbm>>
      tpu.enqueue_dma source(%dma_start3A_1136 : memref<1024xi32, #tpu.memory_space<hbm>>) target(%arg5 : memref<1024xi32, #tpu.memory_space<vmem>>) target_semaphore(%run_scoped3A : memref<!tpu.dma_semaphore, #tpu.memory_space<semaphore_mem>>)
      %dma_wait3A_1137 = tpu.memref_slice %arg2[%select_n3A, %select_n3A_32] : memref<4x8192xi32, #tpu.memory_space<hbm>> -> memref<1x1024xi32, #tpu.memory_space<hbm>>
      %dma_wait3A_1138 = tpu.memref_squeeze %dma_wait3A_1137 : memref<1x1024xi32, #tpu.memory_space<hbm>> -> memref<1024xi32, #tpu.memory_space<hbm>>
      %dma_wait3A_1139 = tpu.memref_slice %arg2[%select_n3A, %select_n3A_32] : memref<4x8192xi32, #tpu.memory_space<hbm>> -> memref<1x1024xi32, #tpu.memory_space<hbm>>
      %dma_wait3A_1140 = tpu.memref_squeeze %dma_wait3A_1139 : memref<1x1024xi32, #tpu.memory_space<hbm>> -> memref<1024xi32, #tpu.memory_space<hbm>>
      tpu.wait_dma2 semaphore(%run_scoped3A : memref<!tpu.dma_semaphore, #tpu.memory_space<semaphore_mem>>) src(%dma_wait3A_1140 : memref<1024xi32, #tpu.memory_space<hbm>>) dst(%arg5 : memref<1024xi32, #tpu.memory_space<vmem>>)
      tpu.yield
    }) : () -> ()
    %get3A = arith.constant 0 : index
    %get3A_33 = tpu.vector_load %arg5[%get3A] {strides = array<i32>} : memref<1024xi32, #tpu.memory_space<vmem>>, vector<16xi32>,
    %get3A_34 = vector.shape_cast %get3A_33 : vector<16xi32> to vector<16xi32>
    %swap3A = arith.constant 0 : i32
    %swap3A_35 = arith.index_cast %swap3A : i32 to index
    %swap3A_36 = arith.constant 0 : index
    %swap3A_37 = tpu.vector_load %arg6[%swap3A_35, %swap3A_36] {strides = array<i32>} : memref<8x128xi32, #tpu.memory_space<vmem>>, vector<1x16xi32>,
    %swap3A_38 = vector.shape_cast %swap3A_37 : vector<1x16xi32> to vector<16xi32>
    %swap3A_39 = vector.shape_cast %get3A_34 : vector<16xi32> to vector<1x16xi32>
    tpu.vector_store %arg6[%swap3A_35, %swap3A_36], %swap3A_39 {strides = array<i32>} : memref<8x128xi32, #tpu.memory_space<vmem>>, vector<1x16xi32>,
    %get3A_40 = arith.constant 16 : index
    %get3A_41 = tpu.vector_load %arg5[%get3A_40] {strides = array<i32>} : memref<1024xi32, #tpu.memory_space<vmem>>, vector<16xi32>,
    %get3A_42 = vector.shape_cast %get3A_41 : vector<16xi32> to vector<16xi32>
    %swap3A_43 = arith.constant 0 : i32
    %swap3A_44 = arith.index_cast %swap3A_43 : i32 to index
    %swap3A_45 = arith.constant 16 : index
    %swap3A_46 = tpu.vector_load %arg6[%swap3A_44, %swap3A_45] {strides = array<i32>} : memref<8x128xi32, #tpu.memory_space<vmem>>, vector<1x16xi32>,
    %swap3A_47 = vector.shape_cast %swap3A_46 : vector<1x16xi32> to vector<16xi32>
    %swap3A_48 = vector.shape_cast %get3A_42 : vector<16xi32> to vector<1x16xi32>
    tpu.vector_store %arg6[%swap3A_44, %swap3A_45], %swap3A_48 {strides = array<i32>} : memref<8x128xi32, #tpu.memory_space<vmem>>, vector<1x16xi32>,
    %get3A_49 = arith.constant 32 : index
    %get3A_50 = tpu.vector_load %arg5[%get3A_49] {strides = array<i32>} : memref<1024xi32, #tpu.memory_space<vmem>>, vector<16xi32>,
    %get3A_51 = vector.shape_cast %get3A_50 : vector<16xi32> to vector<16xi32>
    %swap3A_52 = arith.constant 0 : i32
    %swap3A_53 = arith.index_cast %swap3A_52 : i32 to index
    %swap3A_54 = arith.constant 32 : index
    %swap3A_55 = tpu.vector_load %arg6[%swap3A_53, %swap3A_54] {strides = array<i32>} : memref<8x128xi32, #tpu.memory_space<vmem>>, vector<1x16xi32>,
    %swap3A_56 = vector.shape_cast %swap3A_55 : vector<1x16xi32> to vector<16xi32>
    %swap3A_57 = vector.shape_cast %get3A_51 : vector<16xi32> to vector<1x16xi32>
    tpu.vector_store %arg6[%swap3A_53, %swap3A_54], %swap3A_57 {strides = array<i32>} : memref<8x128xi32, #tpu.memory_space<vmem>>, vector<1x16xi32>,
    %get3A_58 = arith.constant 48 : index
    %get3A_59 = tpu.vector_load %arg5[%get3A_58] {strides = array<i32>} : memref<1024xi32, #tpu.memory_space<vmem>>, vector<16xi32>,
    %get3A_60 = vector.shape_cast %get3A_59 : vector<16xi32> to vector<16xi32>
    %swap3A_61 = arith.constant 0 : i32
    %swap3A_62 = arith.index_cast %swap3A_61 : i32 to index
    %swap3A_63 = arith.constant 48 : index
    %swap3A_64 = tpu.vector_load %arg6[%swap3A_62, %swap3A_63] {strides = array<i32>} : memref<8x128xi32, #tpu.memory_space<vmem>>, vector<1x16xi32>,
    %swap3A_65 = vector.shape_cast %swap3A_64 : vector<1x16xi32> to vector<16xi32>
    %swap3A_66 = vector.shape_cast %get3A_60 : vector<16xi32> to vector<1x16xi32>
    tpu.vector_store %arg6[%swap3A_62, %swap3A_63], %swap3A_66 {strides = array<i32>} : memref<8x128xi32, #tpu.memory_space<vmem>>, vector<1x16xi32>,
    %get3A_67 = arith.constant 64 : index
    %get3A_68 = tpu.vector_load %arg5[%get3A_67] {strides = array<i32>} : memref<1024xi32, #tpu.memory_space<vmem>>, vector<16xi32>,
    %get3A_69 = vector.shape_cast %get3A_68 : vector<16xi32> to vector<16xi32>
    %swap3A_70 = arith.constant 0 : i32
    %swap3A_71 = arith.index_cast %swap3A_70 : i32 to index
    %swap3A_72 = arith.constant 64 : index
    %swap3A_73 = tpu.vector_load %arg6[%swap3A_71, %swap3A_72] {strides = array<i32>} : memref<8x128xi32, #tpu.memory_space<vmem>>, vector<1x16xi32>,
    %swap3A_74 = vector.shape_cast %swap3A_73 : vector<1x16xi32> to vector<16xi32>
    %swap3A_75 = vector.shape_cast %get3A_69 : vector<16xi32> to vector<1x16xi32>
    tpu.vector_store %arg6[%swap3A_71, %swap3A_72], %swap3A_75 {strides = array<i32>} : memref<8x128xi32, #tpu.memory_space<vmem>>, vector<1x16xi32>,
    %get3A_76 = arith.constant 80 : index
    %get3A_77 = tpu.vector_load %arg5[%get3A_76] {strides = array<i32>} : memref<1024xi32, #tpu.memory_space<vmem>>, vector<16xi32>,
    %get3A_78 = vector.shape_cast %get3A_77 : vector<16xi32> to vector<16xi32>
    %swap3A_79 = arith.constant 0 : i32
    %swap3A_80 = arith.index_cast %swap3A_79 : i32 to index
    %swap3A_81 = arith.constant 80 : index
    %swap3A_82 = tpu.vector_load %arg6[%swap3A_80, %swap3A_81] {strides = array<i32>} : memref<8x128xi32, #tpu.memory_space<vmem>>, vector<1x16xi32>,
    %swap3A_83 = vector.shape_cast %swap3A_82 : vector<1x16xi32> to vector<16xi32>
    %swap3A_84 = vector.shape_cast %get3A_78 : vector<16xi32> to vector<1x16xi32>
    tpu.vector_store %arg6[%swap3A_80, %swap3A_81], %swap3A_84 {strides = array<i32>} : memref<8x128xi32, #tpu.memory_space<vmem>>, vector<1x16xi32>,
    %get3A_85 = arith.constant 96 : index
    %get3A_86 = tpu.vector_load %arg5[%get3A_85] {strides = array<i32>} : memref<1024xi32, #tpu.memory_space<vmem>>, vector<16xi32>,
    %get3A_87 = vector.shape_cast %get3A_86 : vector<16xi32> to vector<16xi32>
    %swap3A_88 = arith.constant 0 : i32
    %swap3A_89 = arith.index_cast %swap3A_88 : i32 to index
    %swap3A_90 = arith.constant 96 : index
    %swap3A_91 = tpu.vector_load %arg6[%swap3A_89, %swap3A_90] {strides = array<i32>} : memref<8x128xi32, #tpu.memory_space<vmem>>, vector<1x16xi32>,
    %swap3A_92 = vector.shape_cast %swap3A_91 : vector<1x16xi32> to vector<16xi32>
    %swap3A_93 = vector.shape_cast %get3A_87 : vector<16xi32> to vector<1x16xi32>
    tpu.vector_store %arg6[%swap3A_89, %swap3A_90], %swap3A_93 {strides = array<i32>} : memref<8x128xi32, #tpu.memory_space<vmem>>, vector<1x16xi32>,
    %get3A_94 = arith.constant 112 : index
    %get3A_95 = tpu.vector_load %arg5[%get3A_94] {strides = array<i32>} : memref<1024xi32, #tpu.memory_space<vmem>>, vector<16xi32>,
    %get3A_96 = vector.shape_cast %get3A_95 : vector<16xi32> to vector<16xi32>
    %swap3A_97 = arith.constant 0 : i32
    %swap3A_98 = arith.index_cast %swap3A_97 : i32 to index
    %swap3A_99 = arith.constant 112 : index
    %swap3A_100 = tpu.vector_load %arg6[%swap3A_98, %swap3A_99] {strides = array<i32>} : memref<8x128xi32, #tpu.memory_space<vmem>>, vector<1x16xi32>,
    %swap3A_101 = vector.shape_cast %swap3A_100 : vector<1x16xi32> to vector<16xi32>
    %swap3A_102 = vector.shape_cast %get3A_96 : vector<16xi32> to vector<1x16xi32>
    tpu.vector_store %arg6[%swap3A_98, %swap3A_99], %swap3A_102 {strides = array<i32>} : memref<8x128xi32, #tpu.memory_space<vmem>>, vector<1x16xi32>,
    %dma_start3A = arith.constant 0 : i32
    %dma_start3A_103 = arith.constant 0 : i32
    %dma_start3A_104 = arith.constant 0 : i32
    %dma_start3A_105 = arith.constant 0 : i32
    %dma_start3A_106 = arith.constant 0 : i32
    %dma_start3A_107 = tpu.memref_slice %arg7[%dma_start3A_103, %dma_start3A_105, %dma_start3A_106] : memref<6x128x128xf32, #tpu.memory_space<vmem>> -> memref<1x128x128xf32, #tpu.memory_space<vmem>>
    %dma_start3A_108 = tpu.memref_squeeze %dma_start3A_107 : memref<1x128x128xf32, #tpu.memory_space<vmem>> -> memref<128x128xf32, #tpu.memory_space<vmem>>
    %dma_start3A_109 = arith.constant 0 : i32
    %dma_start3A_110 = tpu.memref_slice %arg6[%dma_start3A, %dma_start3A_109] : memref<8x128xi32, #tpu.memory_space<vmem>> -> memref<1x128xi32, #tpu.memory_space<vmem>>
    %dma_start3A_111 = tpu.memref_squeeze %dma_start3A_110 : memref<1x128xi32, #tpu.memory_space<vmem>> -> memref<128xi32, #tpu.memory_space<vmem>>
    %dma_start3A_112 = arith.constant 0 : i32
    %dma_start3A_113 = arith.constant 0 : i32
    %dma_start3A_114 = tpu.memref_slice %arg3[%dma_start3A_112, %dma_start3A_113] : memref<100000x128xf32, #tpu.memory_space<hbm>> -> memref<100000x128xf32, #tpu.memory_space<hbm>>
    %dma_start3A_115 = tpu.memref_slice %arg8[%dma_start3A_104] : memref<6x!tpu.dma_semaphore, #tpu.memory_space<semaphore_mem>> -> memref<1x!tpu.dma_semaphore, #tpu.memory_space<semaphore_mem>>
    %dma_start3A_116 = tpu.memref_squeeze %dma_start3A_115 : memref<1x!tpu.dma_semaphore, #tpu.memory_space<semaphore_mem>> -> memref<!tpu.dma_semaphore, #tpu.memory_space<semaphore_mem>>
    tpu.enqueue_indirect_dma source(%dma_start3A_114 : memref<100000x128xf32, #tpu.memory_space<hbm>>) target(%dma_start3A_108 : memref<128x128xf32, #tpu.memory_space<vmem>>) offsets(%dma_start3A_111 : memref<128xi32, #tpu.memory_space<vmem>>) semaphore(%dma_start3A_116 : memref<!tpu.dma_semaphore, #tpu.memory_space<semaphore_mem>>)
    %get3A_117 = arith.constant 128 : index
    %get3A_118 = tpu.vector_load %arg5[%get3A_117] {strides = array<i32>} : memref<1024xi32, #tpu.memory_space<vmem>>, vector<16xi32>,
    %get3A_119 = vector.shape_cast %get3A_118 : vector<16xi32> to vector<16xi32>
    %swap3A_120 = arith.constant 1 : i32
    %swap3A_121 = arith.index_cast %swap3A_120 : i32 to index
    %swap3A_122 = arith.constant 0 : index
    %swap3A_123 = tpu.vector_load %arg6[%swap3A_121, %swap3A_122] {strides = array<i32>} : memref<8x128xi32, #tpu.memory_space<vmem>>, vector<1x16xi32>,
    %swap3A_124 = vector.shape_cast %swap3A_123 : vector<1x16xi32> to vector<16xi32>
    %swap3A_125 = vector.shape_cast %get3A_119 : vector<16xi32> to vector<1x16xi32>
    tpu.vector_store %arg6[%swap3A_121, %swap3A_122], %swap3A_125 {strides = array<i32>} : memref<8x128xi32, #tpu.memory_space<vmem>>, vector<1x16xi32>,
    %get3A_126 = arith.constant 144 : index
    %get3A_127 = tpu.vector_load %arg5[%get3A_126] {strides = array<i32>} : memref<1024xi32, #tpu.memory_space<vmem>>, vector<16xi32>,
    %get3A_128 = vector.shape_cast %get3A_127 : vector<16xi32> to vector<16xi32>
    %swap3A_129 = arith.constant 1 : i32
    %swap3A_130 = arith.index_cast %swap3A_129 : i32 to index
    %swap3A_131 = arith.constant 16 : index
    %swap3A_132 = tpu.vector_load %arg6[%swap3A_130, %swap3A_131] {strides = array<i32>} : memref<8x128xi32, #tpu.memory_space<vmem>>, vector<1x16xi32>,
    %swap3A_133 = vector.shape_cast %swap3A_132 : vector<1x16xi32> to vector<16xi32>
    %swap3A_134 = vector.shape_cast %get3A_128 : vector<16xi32> to vector<1x16xi32>
    tpu.vector_store %arg6[%swap3A_130, %swap3A_131], %swap3A_134 {strides = array<i32>} : memref<8x128xi32, #tpu.memory_space<vmem>>, vector<1x16xi32>,
    %get3A_135 = arith.constant 160 : index
    %get3A_136 = tpu.vector_load %arg5[%get3A_135] {strides = array<i32>} : memref<1024xi32, #tpu.memory_space<vmem>>, vector<16xi32>,
    %get3A_137 = vector.shape_cast %get3A_136 : vector<16xi32> to vector<16xi32>
    %swap3A_138 = arith.constant 1 : i32
    %swap3A_139 = arith.index_cast %swap3A_138 : i32 to index
    %swap3A_140 = arith.constant 32 : index
    %swap3A_141 = tpu.vector_load %arg6[%swap3A_139, %swap3A_140] {strides = array<i32>} : memref<8x128xi32, #tpu.memory_space<vmem>>, vector<1x16xi32>,
    %swap3A_142 = vector.shape_cast %swap3A_141 : vector<1x16xi32> to vector<16xi32>
    %swap3A_143 = vector.shape_cast %get3A_137 : vector<16xi32> to vector<1x16xi32>
    tpu.vector_store %arg6[%swap3A_139, %swap3A_140], %swap3A_143 {strides = array<i32>} : memref<8x128xi32, #tpu.memory_space<vmem>>, vector<1x16xi32>,
    %get3A_144 = arith.constant 176 : index
    %get3A_145 = tpu.vector_load %arg5[%get3A_144] {strides = array<i32>} : memref<1024xi32, #tpu.memory_space<vmem>>, vector<16xi32>,
    %get3A_146 = vector.shape_cast %get3A_145 : vector<16xi32> to vector<16xi32>
    %swap3A_147 = arith.constant 1 : i32
    %swap3A_148 = arith.index_cast %swap3A_147 : i32 to index
    %swap3A_149 = arith.constant 48 : index
    %swap3A_150 = tpu.vector_load %arg6[%swap3A_148, %swap3A_149] {strides = array<i32>} : memref<8x128xi32, #tpu.memory_space<vmem>>, vector<1x16xi32>,
    %swap3A_151 = vector.shape_cast %swap3A_150 : vector<1x16xi32> to vector<16xi32>
    %swap3A_152 = vector.shape_cast %get3A_146 : vector<16xi32> to vector<1x16xi32>
    tpu.vector_store %arg6[%swap3A_148, %swap3A_149], %swap3A_152 {strides = array<i32>} : memref<8x128xi32, #tpu.memory_space<vmem>>, vector<1x16xi32>,
    %get3A_153 = arith.constant 192 : index
    %get3A_154 = tpu.vector_load %arg5[%get3A_153] {strides = array<i32>} : memref<1024xi32, #tpu.memory_space<vmem>>, vector<16xi32>,
    %get3A_155 = vector.shape_cast %get3A_154 : vector<16xi32> to vector<16xi32>
    %swap3A_156 = arith.constant 1 : i32
    %swap3A_157 = arith.index_cast %swap3A_156 : i32 to index
    %swap3A_158 = arith.constant 64 : index
    %swap3A_159 = tpu.vector_load %arg6[%swap3A_157, %swap3A_158] {strides = array<i32>} : memref<8x128xi32, #tpu.memory_space<vmem>>, vector<1x16xi32>,
    %swap3A_160 = vector.shape_cast %swap3A_159 : vector<1x16xi32> to vector<16xi32>
    %swap3A_161 = vector.shape_cast %get3A_155 : vector<16xi32> to vector<1x16xi32>
    tpu.vector_store %arg6[%swap3A_157, %swap3A_158], %swap3A_161 {strides = array<i32>} : memref<8x128xi32, #tpu.memory_space<vmem>>, vector<1x16xi32>,
    %get3A_162 = arith.constant 208 : index
    %get3A_163 = tpu.vector_load %arg5[%get3A_162] {strides = array<i32>} : memref<1024xi32, #tpu.memory_space<vmem>>, vector<16xi32>,
    %get3A_164 = vector.shape_cast %get3A_163 : vector<16xi32> to vector<16xi32>
    %swap3A_165 = arith.constant 1 : i32
    %swap3A_166 = arith.index_cast %swap3A_165 : i32 to index
    %swap3A_167 = arith.constant 80 : index
    %swap3A_168 = tpu.vector_load %arg6[%swap3A_166, %swap3A_167] {strides = array<i32>} : memref<8x128xi32, #tpu.memory_space<vmem>>, vector<1x16xi32>,
    %swap3A_169 = vector.shape_cast %swap3A_168 : vector<1x16xi32> to vector<16xi32>
    %swap3A_170 = vector.shape_cast %get3A_164 : vector<16xi32> to vector<1x16xi32>
    tpu.vector_store %arg6[%swap3A_166, %swap3A_167], %swap3A_170 {strides = array<i32>} : memref<8x128xi32, #tpu.memory_space<vmem>>, vector<1x16xi32>,
    %get3A_171 = arith.constant 224 : index
    %get3A_172 = tpu.vector_load %arg5[%get3A_171] {strides = array<i32>} : memref<1024xi32, #tpu.memory_space<vmem>>, vector<16xi32>,
    %get3A_173 = vector.shape_cast %get3A_172 : vector<16xi32> to vector<16xi32>
    %swap3A_174 = arith.constant 1 : i32
    %swap3A_175 = arith.index_cast %swap3A_174 : i32 to index
    %swap3A_176 = arith.constant 96 : index
    %swap3A_177 = tpu.vector_load %arg6[%swap3A_175, %swap3A_176] {strides = array<i32>} : memref<8x128xi32, #tpu.memory_space<vmem>>, vector<1x16xi32>,
    %swap3A_178 = vector.shape_cast %swap3A_177 : vector<1x16xi32> to vector<16xi32>
    %swap3A_179 = vector.shape_cast %get3A_173 : vector<16xi32> to vector<1x16xi32>
    tpu.vector_store %arg6[%swap3A_175, %swap3A_176], %swap3A_179 {strides = array<i32>} : memref<8x128xi32, #tpu.memory_space<vmem>>, vector<1x16xi32>,
    %get3A_180 = arith.constant 240 : index
    %get3A_181 = tpu.vector_load %arg5[%get3A_180] {strides = array<i32>} : memref<1024xi32, #tpu.memory_space<vmem>>, vector<16xi32>,
    %get3A_182 = vector.shape_cast %get3A_181 : vector<16xi32> to vector<16xi32>
    %swap3A_183 = arith.constant 1 : i32
    %swap3A_184 = arith.index_cast %swap3A_183 : i32 to index
    %swap3A_185 = arith.constant 112 : index
    %swap3A_186 = tpu.vector_load %arg6[%swap3A_184, %swap3A_185] {strides = array<i32>} : memref<8x128xi32, #tpu.memory_space<vmem>>, vector<1x16xi32>,
    %swap3A_187 = vector.shape_cast %swap3A_186 : vector<1x16xi32> to vector<16xi32>
    %swap3A_188 = vector.shape_cast %get3A_182 : vector<16xi32> to vector<1x16xi32>
    tpu.vector_store %arg6[%swap3A_184, %swap3A_185], %swap3A_188 {strides = array<i32>} : memref<8x128xi32, #tpu.memory_space<vmem>>, vector<1x16xi32>,
    %dma_start3A_189 = arith.constant 1 : i32
    %dma_start3A_190 = arith.constant 1 : i32
    %dma_start3A_191 = arith.constant 1 : i32
    %dma_start3A_192 = arith.constant 0 : i32
    %dma_start3A_193 = arith.constant 0 : i32
    %dma_start3A_194 = tpu.memref_slice %arg7[%dma_start3A_190, %dma_start3A_192, %dma_start3A_193] : memref<6x128x128xf32, #tpu.memory_space<vmem>> -> memref<1x128x128xf32, #tpu.memory_space<vmem>>
    %dma_start3A_195 = tpu.memref_squeeze %dma_start3A_194 : memref<1x128x128xf32, #tpu.memory_space<vmem>> -> memref<128x128xf32, #tpu.memory_space<vmem>>
    %dma_start3A_196 = arith.constant 0 : i32
    %dma_start3A_197 = tpu.memref_slice %arg6[%dma_start3A_189, %dma_start3A_196] : memref<8x128xi32, #tpu.memory_space<vmem>> -> memref<1x128xi32, #tpu.memory_space<vmem>>
    %dma_start3A_198 = tpu.memref_squeeze %dma_start3A_197 : memref<1x128xi32, #tpu.memory_space<vmem>> -> memref<128xi32, #tpu.memory_space<vmem>>
    %dma_start3A_199 = arith.constant 0 : i32
    %dma_start3A_200 = arith.constant 0 : i32
    %dma_start3A_201 = tpu.memref_slice %arg3[%dma_start3A_199, %dma_start3A_200] : memref<100000x128xf32, #tpu.memory_space<hbm>> -> memref<100000x128xf32, #tpu.memory_space<hbm>>
    %dma_start3A_202 = tpu.memref_slice %arg8[%dma_start3A_191] : memref<6x!tpu.dma_semaphore, #tpu.memory_space<semaphore_mem>> -> memref<1x!tpu.dma_semaphore, #tpu.memory_space<semaphore_mem>>
    %dma_start3A_203 = tpu.memref_squeeze %dma_start3A_202 : memref<1x!tpu.dma_semaphore, #tpu.memory_space<semaphore_mem>> -> memref<!tpu.dma_semaphore, #tpu.memory_space<semaphore_mem>>
    tpu.enqueue_indirect_dma source(%dma_start3A_201 : memref<100000x128xf32, #tpu.memory_space<hbm>>) target(%dma_start3A_195 : memref<128x128xf32, #tpu.memory_space<vmem>>) offsets(%dma_start3A_198 : memref<128xi32, #tpu.memory_space<vmem>>) semaphore(%dma_start3A_203 : memref<!tpu.dma_semaphore, #tpu.memory_space<semaphore_mem>>)
    %get3A_204 = arith.constant 256 : index
    %get3A_205 = tpu.vector_load %arg5[%get3A_204] {strides = array<i32>} : memref<1024xi32, #tpu.memory_space<vmem>>, vector<16xi32>,
    %get3A_206 = vector.shape_cast %get3A_205 : vector<16xi32> to vector<16xi32>
    %swap3A_207 = arith.constant 2 : i32
    %swap3A_208 = arith.index_cast %swap3A_207 : i32 to index
    %swap3A_209 = arith.constant 0 : index
    %swap3A_210 = tpu.vector_load %arg6[%swap3A_208, %swap3A_209] {strides = array<i32>} : memref<8x128xi32, #tpu.memory_space<vmem>>, vector<1x16xi32>,
    %swap3A_211 = vector.shape_cast %swap3A_210 : vector<1x16xi32> to vector<16xi32>
    %swap3A_212 = vector.shape_cast %get3A_206 : vector<16xi32> to vector<1x16xi32>
    tpu.vector_store %arg6[%swap3A_208, %swap3A_209], %swap3A_212 {strides = array<i32>} : memref<8x128xi32, #tpu.memory_space<vmem>>, vector<1x16xi32>,
    %get3A_213 = arith.constant 272 : index
    %get3A_214 = tpu.vector_load %arg5[%get3A_213] {strides = array<i32>} : memref<1024xi32, #tpu.memory_space<vmem>>, vector<16xi32>,
    %get3A_215 = vector.shape_cast %get3A_214 : vector<16xi32> to vector<16xi32>
    %swap3A_216 = arith.constant 2 : i32
    %swap3A_217 = arith.index_cast %swap3A_216 : i32 to index
    %swap3A_218 = arith.constant 16 : index
    %swap3A_219 = tpu.vector_load %arg6[%swap3A_217, %swap3A_218] {strides = array<i32>} : memref<8x128xi32, #tpu.memory_space<vmem>>, vector<1x16xi32>,
    %swap3A_220 = vector.shape_cast %swap3A_219 : vector<1x16xi32> to vector<16xi32>
    %swap3A_221 = vector.shape_cast %get3A_215 : vector<16xi32> to vector<1x16xi32>
    tpu.vector_store %arg6[%swap3A_217, %swap3A_218], %swap3A_221 {strides = array<i32>} : memref<8x128xi32, #tpu.memory_space<vmem>>, vector<1x16xi32>,
    %get3A_222 = arith.constant 288 : index
    %get3A_223 = tpu.vector_load %arg5[%get3A_222] {strides = array<i32>} : memref<1024xi32, #tpu.memory_space<vmem>>, vector<16xi32>,
    %get3A_224 = vector.shape_cast %get3A_223 : vector<16xi32> to vector<16xi32>
    %swap3A_225 = arith.constant 2 : i32
    %swap3A_226 = arith.index_cast %swap3A_225 : i32 to index
    %swap3A_227 = arith.constant 32 : index
    %swap3A_228 = tpu.vector_load %arg6[%swap3A_226, %swap3A_227] {strides = array<i32>} : memref<8x128xi32, #tpu.memory_space<vmem>>, vector<1x16xi32>,
    %swap3A_229 = vector.shape_cast %swap3A_228 : vector<1x16xi32> to vector<16xi32>
    %swap3A_230 = vector.shape_cast %get3A_224 : vector<16xi32> to vector<1x16xi32>
    tpu.vector_store %arg6[%swap3A_226, %swap3A_227], %swap3A_230 {strides = array<i32>} : memref<8x128xi32, #tpu.memory_space<vmem>>, vector<1x16xi32>,
    %get3A_231 = arith.constant 304 : index
    %get3A_232 = tpu.vector_load %arg5[%get3A_231] {strides = array<i32>} : memref<1024xi32, #tpu.memory_space<vmem>>, vector<16xi32>,
    %get3A_233 = vector.shape_cast %get3A_232 : vector<16xi32> to vector<16xi32>
    %swap3A_234 = arith.constant 2 : i32
    %swap3A_235 = arith.index_cast %swap3A_234 : i32 to index
    %swap3A_236 = arith.constant 48 : index
    %swap3A_237 = tpu.vector_load %arg6[%swap3A_235, %swap3A_236] {strides = array<i32>} : memref<8x128xi32, #tpu.memory_space<vmem>>, vector<1x16xi32>,
    %swap3A_238 = vector.shape_cast %swap3A_237 : vector<1x16xi32> to vector<16xi32>
    %swap3A_239 = vector.shape_cast %get3A_233 : vector<16xi32> to vector<1x16xi32>
    tpu.vector_store %arg6[%swap3A_235, %swap3A_236], %swap3A_239 {strides = array<i32>} : memref<8x128xi32, #tpu.memory_space<vmem>>, vector<1x16xi32>,
    %get3A_240 = arith.constant 320 : index
    %get3A_241 = tpu.vector_load %arg5[%get3A_240] {strides = array<i32>} : memref<1024xi32, #tpu.memory_space<vmem>>, vector<16xi32>,
    %get3A_242 = vector.shape_cast %get3A_241 : vector<16xi32> to vector<16xi32>
    %swap3A_243 = arith.constant 2 : i32
    %swap3A_244 = arith.index_cast %swap3A_243 : i32 to index
    %swap3A_245 = arith.constant 64 : index
    %swap3A_246 = tpu.vector_load %arg6[%swap3A_244, %swap3A_245] {strides = array<i32>} : memref<8x128xi32, #tpu.memory_space<vmem>>, vector<1x16xi32>,
    %swap3A_247 = vector.shape_cast %swap3A_246 : vector<1x16xi32> to vector<16xi32>
    %swap3A_248 = vector.shape_cast %get3A_242 : vector<16xi32> to vector<1x16xi32>
    tpu.vector_store %arg6[%swap3A_244, %swap3A_245], %swap3A_248 {strides = array<i32>} : memref<8x128xi32, #tpu.memory_space<vmem>>, vector<1x16xi32>,
    %get3A_249 = arith.constant 336 : index
    %get3A_250 = tpu.vector_load %arg5[%get3A_249] {strides = array<i32>} : memref<1024xi32, #tpu.memory_space<vmem>>, vector<16xi32>,
    %get3A_251 = vector.shape_cast %get3A_250 : vector<16xi32> to vector<16xi32>
    %swap3A_252 = arith.constant 2 : i32
    %swap3A_253 = arith.index_cast %swap3A_252 : i32 to index
    %swap3A_254 = arith.constant 80 : index
    %swap3A_255 = tpu.vector_load %arg6[%swap3A_253, %swap3A_254] {strides = array<i32>} : memref<8x128xi32, #tpu.memory_space<vmem>>, vector<1x16xi32>,
    %swap3A_256 = vector.shape_cast %swap3A_255 : vector<1x16xi32> to vector<16xi32>
    %swap3A_257 = vector.shape_cast %get3A_251 : vector<16xi32> to vector<1x16xi32>
    tpu.vector_store %arg6[%swap3A_253, %swap3A_254], %swap3A_257 {strides = array<i32>} : memref<8x128xi32, #tpu.memory_space<vmem>>, vector<1x16xi32>,
    %get3A_258 = arith.constant 352 : index
    %get3A_259 = tpu.vector_load %arg5[%get3A_258] {strides = array<i32>} : memref<1024xi32, #tpu.memory_space<vmem>>, vector<16xi32>,
    %get3A_260 = vector.shape_cast %get3A_259 : vector<16xi32> to vector<16xi32>
    %swap3A_261 = arith.constant 2 : i32
    %swap3A_262 = arith.index_cast %swap3A_261 : i32 to index
    %swap3A_263 = arith.constant 96 : index
    %swap3A_264 = tpu.vector_load %arg6[%swap3A_262, %swap3A_263] {strides = array<i32>} : memref<8x128xi32, #tpu.memory_space<vmem>>, vector<1x16xi32>,
    %swap3A_265 = vector.shape_cast %swap3A_264 : vector<1x16xi32> to vector<16xi32>
    %swap3A_266 = vector.shape_cast %get3A_260 : vector<16xi32> to vector<1x16xi32>
    tpu.vector_store %arg6[%swap3A_262, %swap3A_263], %swap3A_266 {strides = array<i32>} : memref<8x128xi32, #tpu.memory_space<vmem>>, vector<1x16xi32>,
    %get3A_267 = arith.constant 368 : index
    %get3A_268 = tpu.vector_load %arg5[%get3A_267] {strides = array<i32>} : memref<1024xi32, #tpu.memory_space<vmem>>, vector<16xi32>,
    %get3A_269 = vector.shape_cast %get3A_268 : vector<16xi32> to vector<16xi32>
    %swap3A_270 = arith.constant 2 : i32
    %swap3A_271 = arith.index_cast %swap3A_270 : i32 to index
    %swap3A_272 = arith.constant 112 : index
    %swap3A_273 = tpu.vector_load %arg6[%swap3A_271, %swap3A_272] {strides = array<i32>} : memref<8x128xi32, #tpu.memory_space<vmem>>, vector<1x16xi32>,
    %swap3A_274 = vector.shape_cast %swap3A_273 : vector<1x16xi32> to vector<16xi32>
    %swap3A_275 = vector.shape_cast %get3A_269 : vector<16xi32> to vector<1x16xi32>
    tpu.vector_store %arg6[%swap3A_271, %swap3A_272], %swap3A_275 {strides = array<i32>} : memref<8x128xi32, #tpu.memory_space<vmem>>, vector<1x16xi32>,
    %dma_start3A_276 = arith.constant 2 : i32
    %dma_start3A_277 = arith.constant 2 : i32
    %dma_start3A_278 = arith.constant 2 : i32
    %dma_start3A_279 = arith.constant 0 : i32
    %dma_start3A_280 = arith.constant 0 : i32
    %dma_start3A_281 = tpu.memref_slice %arg7[%dma_start3A_277, %dma_start3A_279, %dma_start3A_280] : memref<6x128x128xf32, #tpu.memory_space<vmem>> -> memref<1x128x128xf32, #tpu.memory_space<vmem>>
    %dma_start3A_282 = tpu.memref_squeeze %dma_start3A_281 : memref<1x128x128xf32, #tpu.memory_space<vmem>> -> memref<128x128xf32, #tpu.memory_space<vmem>>
    %dma_start3A_283 = arith.constant 0 : i32
    %dma_start3A_284 = tpu.memref_slice %arg6[%dma_start3A_276, %dma_start3A_283] : memref<8x128xi32, #tpu.memory_space<vmem>> -> memref<1x128xi32, #tpu.memory_space<vmem>>
    %dma_start3A_285 = tpu.memref_squeeze %dma_start3A_284 : memref<1x128xi32, #tpu.memory_space<vmem>> -> memref<128xi32, #tpu.memory_space<vmem>>
    %dma_start3A_286 = arith.constant 0 : i32
    %dma_start3A_287 = arith.constant 0 : i32
    %dma_start3A_288 = tpu.memref_slice %arg3[%dma_start3A_286, %dma_start3A_287] : memref<100000x128xf32, #tpu.memory_space<hbm>> -> memref<100000x128xf32, #tpu.memory_space<hbm>>
    %dma_start3A_289 = tpu.memref_slice %arg8[%dma_start3A_278] : memref<6x!tpu.dma_semaphore, #tpu.memory_space<semaphore_mem>> -> memref<1x!tpu.dma_semaphore, #tpu.memory_space<semaphore_mem>>
    %dma_start3A_290 = tpu.memref_squeeze %dma_start3A_289 : memref<1x!tpu.dma_semaphore, #tpu.memory_space<semaphore_mem>> -> memref<!tpu.dma_semaphore, #tpu.memory_space<semaphore_mem>>
    tpu.enqueue_indirect_dma source(%dma_start3A_288 : memref<100000x128xf32, #tpu.memory_space<hbm>>) target(%dma_start3A_282 : memref<128x128xf32, #tpu.memory_space<vmem>>) offsets(%dma_start3A_285 : memref<128xi32, #tpu.memory_space<vmem>>) semaphore(%dma_start3A_290 : memref<!tpu.dma_semaphore, #tpu.memory_space<semaphore_mem>>)
    %get3A_291 = arith.constant 384 : index
    %get3A_292 = tpu.vector_load %arg5[%get3A_291] {strides = array<i32>} : memref<1024xi32, #tpu.memory_space<vmem>>, vector<16xi32>,
    %get3A_293 = vector.shape_cast %get3A_292 : vector<16xi32> to vector<16xi32>
    %swap3A_294 = arith.constant 3 : i32
    %swap3A_295 = arith.index_cast %swap3A_294 : i32 to index
    %swap3A_296 = arith.constant 0 : index
    %swap3A_297 = tpu.vector_load %arg6[%swap3A_295, %swap3A_296] {strides = array<i32>} : memref<8x128xi32, #tpu.memory_space<vmem>>, vector<1x16xi32>,
    %swap3A_298 = vector.shape_cast %swap3A_297 : vector<1x16xi32> to vector<16xi32>
    %swap3A_299 = vector.shape_cast %get3A_293 : vector<16xi32> to vector<1x16xi32>
    tpu.vector_store %arg6[%swap3A_295, %swap3A_296], %swap3A_299 {strides = array<i32>} : memref<8x128xi32, #tpu.memory_space<vmem>>, vector<1x16xi32>,
    %get3A_300 = arith.constant 400 : index
    %get3A_301 = tpu.vector_load %arg5[%get3A_300] {strides = array<i32>} : memref<1024xi32, #tpu.memory_space<vmem>>, vector<16xi32>,
    %get3A_302 = vector.shape_cast %get3A_301 : vector<16xi32> to vector<16xi32>
    %swap3A_303 = arith.constant 3 : i32
    %swap3A_304 = arith.index_cast %swap3A_303 : i32 to index
    %swap3A_305 = arith.constant 16 : index
    %swap3A_306 = tpu.vector_load %arg6[%swap3A_304, %swap3A_305] {strides = array<i32>} : memref<8x128xi32, #tpu.memory_space<vmem>>, vector<1x16xi32>,
    %swap3A_307 = vector.shape_cast %swap3A_306 : vector<1x16xi32> to vector<16xi32>
    %swap3A_308 = vector.shape_cast %get3A_302 : vector<16xi32> to vector<1x16xi32>
    tpu.vector_store %arg6[%swap3A_304, %swap3A_305], %swap3A_308 {strides = array<i32>} : memref<8x128xi32, #tpu.memory_space<vmem>>, vector<1x16xi32>,
    %get3A_309 = arith.constant 416 : index
    %get3A_310 = tpu.vector_load %arg5[%get3A_309] {strides = array<i32>} : memref<1024xi32, #tpu.memory_space<vmem>>, vector<16xi32>,
    %get3A_311 = vector.shape_cast %get3A_310 : vector<16xi32> to vector<16xi32>
    %swap3A_312 = arith.constant 3 : i32
    %swap3A_313 = arith.index_cast %swap3A_312 : i32 to index
    %swap3A_314 = arith.constant 32 : index
    %swap3A_315 = tpu.vector_load %arg6[%swap3A_313, %swap3A_314] {strides = array<i32>} : memref<8x128xi32, #tpu.memory_space<vmem>>, vector<1x16xi32>,
    %swap3A_316 = vector.shape_cast %swap3A_315 : vector<1x16xi32> to vector<16xi32>
    %swap3A_317 = vector.shape_cast %get3A_311 : vector<16xi32> to vector<1x16xi32>
    tpu.vector_store %arg6[%swap3A_313, %swap3A_314], %swap3A_317 {strides = array<i32>} : memref<8x128xi32, #tpu.memory_space<vmem>>, vector<1x16xi32>,
    %get3A_318 = arith.constant 432 : index
    %get3A_319 = tpu.vector_load %arg5[%get3A_318] {strides = array<i32>} : memref<1024xi32, #tpu.memory_space<vmem>>, vector<16xi32>,
    %get3A_320 = vector.shape_cast %get3A_319 : vector<16xi32> to vector<16xi32>
    %swap3A_321 = arith.constant 3 : i32
    %swap3A_322 = arith.index_cast %swap3A_321 : i32 to index
    %swap3A_323 = arith.constant 48 : index
    %swap3A_324 = tpu.vector_load %arg6[%swap3A_322, %swap3A_323] {strides = array<i32>} : memref<8x128xi32, #tpu.memory_space<vmem>>, vector<1x16xi32>,
    %swap3A_325 = vector.shape_cast %swap3A_324 : vector<1x16xi32> to vector<16xi32>
    %swap3A_326 = vector.shape_cast %get3A_320 : vector<16xi32> to vector<1x16xi32>
    tpu.vector_store %arg6[%swap3A_322, %swap3A_323], %swap3A_326 {strides = array<i32>} : memref<8x128xi32, #tpu.memory_space<vmem>>, vector<1x16xi32>,
    %get3A_327 = arith.constant 448 : index
    %get3A_328 = tpu.vector_load %arg5[%get3A_327] {strides = array<i32>} : memref<1024xi32, #tpu.memory_space<vmem>>, vector<16xi32>,
    %get3A_329 = vector.shape_cast %get3A_328 : vector<16xi32> to vector<16xi32>
    %swap3A_330 = arith.constant 3 : i32
    %swap3A_331 = arith.index_cast %swap3A_330 : i32 to index
    %swap3A_332 = arith.constant 64 : index
    %swap3A_333 = tpu.vector_load %arg6[%swap3A_331, %swap3A_332] {strides = array<i32>} : memref<8x128xi32, #tpu.memory_space<vmem>>, vector<1x16xi32>,
    %swap3A_334 = vector.shape_cast %swap3A_333 : vector<1x16xi32> to vector<16xi32>
    %swap3A_335 = vector.shape_cast %get3A_329 : vector<16xi32> to vector<1x16xi32>
    tpu.vector_store %arg6[%swap3A_331, %swap3A_332], %swap3A_335 {strides = array<i32>} : memref<8x128xi32, #tpu.memory_space<vmem>>, vector<1x16xi32>,
    %get3A_336 = arith.constant 464 : index
    %get3A_337 = tpu.vector_load %arg5[%get3A_336] {strides = array<i32>} : memref<1024xi32, #tpu.memory_space<vmem>>, vector<16xi32>,
    %get3A_338 = vector.shape_cast %get3A_337 : vector<16xi32> to vector<16xi32>
    %swap3A_339 = arith.constant 3 : i32
    %swap3A_340 = arith.index_cast %swap3A_339 : i32 to index
    %swap3A_341 = arith.constant 80 : index
    %swap3A_342 = tpu.vector_load %arg6[%swap3A_340, %swap3A_341] {strides = array<i32>} : memref<8x128xi32, #tpu.memory_space<vmem>>, vector<1x16xi32>,
    %swap3A_343 = vector.shape_cast %swap3A_342 : vector<1x16xi32> to vector<16xi32>
    %swap3A_344 = vector.shape_cast %get3A_338 : vector<16xi32> to vector<1x16xi32>
    tpu.vector_store %arg6[%swap3A_340, %swap3A_341], %swap3A_344 {strides = array<i32>} : memref<8x128xi32, #tpu.memory_space<vmem>>, vector<1x16xi32>,
    %get3A_345 = arith.constant 480 : index
    %get3A_346 = tpu.vector_load %arg5[%get3A_345] {strides = array<i32>} : memref<1024xi32, #tpu.memory_space<vmem>>, vector<16xi32>,
    %get3A_347 = vector.shape_cast %get3A_346 : vector<16xi32> to vector<16xi32>
    %swap3A_348 = arith.constant 3 : i32
    %swap3A_349 = arith.index_cast %swap3A_348 : i32 to index
    %swap3A_350 = arith.constant 96 : index
    %swap3A_351 = tpu.vector_load %arg6[%swap3A_349, %swap3A_350] {strides = array<i32>} : memref<8x128xi32, #tpu.memory_space<vmem>>, vector<1x16xi32>,
    %swap3A_352 = vector.shape_cast %swap3A_351 : vector<1x16xi32> to vector<16xi32>
    %swap3A_353 = vector.shape_cast %get3A_347 : vector<16xi32> to vector<1x16xi32>
    tpu.vector_store %arg6[%swap3A_349, %swap3A_350], %swap3A_353 {strides = array<i32>} : memref<8x128xi32, #tpu.memory_space<vmem>>, vector<1x16xi32>,
    %get3A_354 = arith.constant 496 : index
    %get3A_355 = tpu.vector_load %arg5[%get3A_354] {strides = array<i32>} : memref<1024xi32, #tpu.memory_space<vmem>>, vector<16xi32>,
    %get3A_356 = vector.shape_cast %get3A_355 : vector<16xi32> to vector<16xi32>
    %swap3A_357 = arith.constant 3 : i32
    %swap3A_358 = arith.index_cast %swap3A_357 : i32 to index
    %swap3A_359 = arith.constant 112 : index
    %swap3A_360 = tpu.vector_load %arg6[%swap3A_358, %swap3A_359] {strides = array<i32>} : memref<8x128xi32, #tpu.memory_space<vmem>>, vector<1x16xi32>,
    %swap3A_361 = vector.shape_cast %swap3A_360 : vector<1x16xi32> to vector<16xi32>
    %swap3A_362 = vector.shape_cast %get3A_356 : vector<16xi32> to vector<1x16xi32>
    tpu.vector_store %arg6[%swap3A_358, %swap3A_359], %swap3A_362 {strides = array<i32>} : memref<8x128xi32, #tpu.memory_space<vmem>>, vector<1x16xi32>,
    %dma_start3A_363 = arith.constant 3 : i32
    %dma_start3A_364 = arith.constant 3 : i32
    %dma_start3A_365 = arith.constant 3 : i32
    %dma_start3A_366 = arith.constant 0 : i32
    %dma_start3A_367 = arith.constant 0 : i32
    %dma_start3A_368 = tpu.memref_slice %arg7[%dma_start3A_364, %dma_start3A_366, %dma_start3A_367] : memref<6x128x128xf32, #tpu.memory_space<vmem>> -> memref<1x128x128xf32, #tpu.memory_space<vmem>>
    %dma_start3A_369 = tpu.memref_squeeze %dma_start3A_368 : memref<1x128x128xf32, #tpu.memory_space<vmem>> -> memref<128x128xf32, #tpu.memory_space<vmem>>
    %dma_start3A_370 = arith.constant 0 : i32
    %dma_start3A_371 = tpu.memref_slice %arg6[%dma_start3A_363, %dma_start3A_370] : memref<8x128xi32, #tpu.memory_space<vmem>> -> memref<1x128xi32, #tpu.memory_space<vmem>>
    %dma_start3A_372 = tpu.memref_squeeze %dma_start3A_371 : memref<1x128xi32, #tpu.memory_space<vmem>> -> memref<128xi32, #tpu.memory_space<vmem>>
    %dma_start3A_373 = arith.constant 0 : i32
    %dma_start3A_374 = arith.constant 0 : i32
    %dma_start3A_375 = tpu.memref_slice %arg3[%dma_start3A_373, %dma_start3A_374] : memref<100000x128xf32, #tpu.memory_space<hbm>> -> memref<100000x128xf32, #tpu.memory_space<hbm>>
    %dma_start3A_376 = tpu.memref_slice %arg8[%dma_start3A_365] : memref<6x!tpu.dma_semaphore, #tpu.memory_space<semaphore_mem>> -> memref<1x!tpu.dma_semaphore, #tpu.memory_space<semaphore_mem>>
    %dma_start3A_377 = tpu.memref_squeeze %dma_start3A_376 : memref<1x!tpu.dma_semaphore, #tpu.memory_space<semaphore_mem>> -> memref<!tpu.dma_semaphore, #tpu.memory_space<semaphore_mem>>
    tpu.enqueue_indirect_dma source(%dma_start3A_375 : memref<100000x128xf32, #tpu.memory_space<hbm>>) target(%dma_start3A_369 : memref<128x128xf32, #tpu.memory_space<vmem>>) offsets(%dma_start3A_372 : memref<128xi32, #tpu.memory_space<vmem>>) semaphore(%dma_start3A_377 : memref<!tpu.dma_semaphore, #tpu.memory_space<semaphore_mem>>)
    %get3A_378 = arith.constant 512 : index
    %get3A_379 = tpu.vector_load %arg5[%get3A_378] {strides = array<i32>} : memref<1024xi32, #tpu.memory_space<vmem>>, vector<16xi32>,
    %get3A_380 = vector.shape_cast %get3A_379 : vector<16xi32> to vector<16xi32>
    %swap3A_381 = arith.constant 4 : i32
    %swap3A_382 = arith.index_cast %swap3A_381 : i32 to index
    %swap3A_383 = arith.constant 0 : index
    %swap3A_384 = tpu.vector_load %arg6[%swap3A_382, %swap3A_383] {strides = array<i32>} : memref<8x128xi32, #tpu.memory_space<vmem>>, vector<1x16xi32>,
    %swap3A_385 = vector.shape_cast %swap3A_384 : vector<1x16xi32> to vector<16xi32>
    %swap3A_386 = vector.shape_cast %get3A_380 : vector<16xi32> to vector<1x16xi32>
    tpu.vector_store %arg6[%swap3A_382, %swap3A_383], %swap3A_386 {strides = array<i32>} : memref<8x128xi32, #tpu.memory_space<vmem>>, vector<1x16xi32>,
    %get3A_387 = arith.constant 528 : index
    %get3A_388 = tpu.vector_load %arg5[%get3A_387] {strides = array<i32>} : memref<1024xi32, #tpu.memory_space<vmem>>, vector<16xi32>,
    %get3A_389 = vector.shape_cast %get3A_388 : vector<16xi32> to vector<16xi32>
    %swap3A_390 = arith.constant 4 : i32
    %swap3A_391 = arith.index_cast %swap3A_390 : i32 to index
    %swap3A_392 = arith.constant 16 : index
    %swap3A_393 = tpu.vector_load %arg6[%swap3A_391, %swap3A_392] {strides = array<i32>} : memref<8x128xi32, #tpu.memory_space<vmem>>, vector<1x16xi32>,
    %swap3A_394 = vector.shape_cast %swap3A_393 : vector<1x16xi32> to vector<16xi32>
    %swap3A_395 = vector.shape_cast %get3A_389 : vector<16xi32> to vector<1x16xi32>
    tpu.vector_store %arg6[%swap3A_391, %swap3A_392], %swap3A_395 {strides = array<i32>} : memref<8x128xi32, #tpu.memory_space<vmem>>, vector<1x16xi32>,
    %get3A_396 = arith.constant 544 : index
    %get3A_397 = tpu.vector_load %arg5[%get3A_396] {strides = array<i32>} : memref<1024xi32, #tpu.memory_space<vmem>>, vector<16xi32>,
    %get3A_398 = vector.shape_cast %get3A_397 : vector<16xi32> to vector<16xi32>
    %swap3A_399 = arith.constant 4 : i32
    %swap3A_400 = arith.index_cast %swap3A_399 : i32 to index
    %swap3A_401 = arith.constant 32 : index
    %swap3A_402 = tpu.vector_load %arg6[%swap3A_400, %swap3A_401] {strides = array<i32>} : memref<8x128xi32, #tpu.memory_space<vmem>>, vector<1x16xi32>,
    %swap3A_403 = vector.shape_cast %swap3A_402 : vector<1x16xi32> to vector<16xi32>
    %swap3A_404 = vector.shape_cast %get3A_398 : vector<16xi32> to vector<1x16xi32>
    tpu.vector_store %arg6[%swap3A_400, %swap3A_401], %swap3A_404 {strides = array<i32>} : memref<8x128xi32, #tpu.memory_space<vmem>>, vector<1x16xi32>,
    %get3A_405 = arith.constant 560 : index
    %get3A_406 = tpu.vector_load %arg5[%get3A_405] {strides = array<i32>} : memref<1024xi32, #tpu.memory_space<vmem>>, vector<16xi32>,
    %get3A_407 = vector.shape_cast %get3A_406 : vector<16xi32> to vector<16xi32>
    %swap3A_408 = arith.constant 4 : i32
    %swap3A_409 = arith.index_cast %swap3A_408 : i32 to index
    %swap3A_410 = arith.constant 48 : index
    %swap3A_411 = tpu.vector_load %arg6[%swap3A_409, %swap3A_410] {strides = array<i32>} : memref<8x128xi32, #tpu.memory_space<vmem>>, vector<1x16xi32>,
    %swap3A_412 = vector.shape_cast %swap3A_411 : vector<1x16xi32> to vector<16xi32>
    %swap3A_413 = vector.shape_cast %get3A_407 : vector<16xi32> to vector<1x16xi32>
    tpu.vector_store %arg6[%swap3A_409, %swap3A_410], %swap3A_413 {strides = array<i32>} : memref<8x128xi32, #tpu.memory_space<vmem>>, vector<1x16xi32>,
    %get3A_414 = arith.constant 576 : index
    %get3A_415 = tpu.vector_load %arg5[%get3A_414] {strides = array<i32>} : memref<1024xi32, #tpu.memory_space<vmem>>, vector<16xi32>,
    %get3A_416 = vector.shape_cast %get3A_415 : vector<16xi32> to vector<16xi32>
    %swap3A_417 = arith.constant 4 : i32
    %swap3A_418 = arith.index_cast %swap3A_417 : i32 to index
    %swap3A_419 = arith.constant 64 : index
    %swap3A_420 = tpu.vector_load %arg6[%swap3A_418, %swap3A_419] {strides = array<i32>} : memref<8x128xi32, #tpu.memory_space<vmem>>, vector<1x16xi32>,
    %swap3A_421 = vector.shape_cast %swap3A_420 : vector<1x16xi32> to vector<16xi32>
    %swap3A_422 = vector.shape_cast %get3A_416 : vector<16xi32> to vector<1x16xi32>
    tpu.vector_store %arg6[%swap3A_418, %swap3A_419], %swap3A_422 {strides = array<i32>} : memref<8x128xi32, #tpu.memory_space<vmem>>, vector<1x16xi32>,
    %get3A_423 = arith.constant 592 : index
    %get3A_424 = tpu.vector_load %arg5[%get3A_423] {strides = array<i32>} : memref<1024xi32, #tpu.memory_space<vmem>>, vector<16xi32>,
    %get3A_425 = vector.shape_cast %get3A_424 : vector<16xi32> to vector<16xi32>
    %swap3A_426 = arith.constant 4 : i32
    %swap3A_427 = arith.index_cast %swap3A_426 : i32 to index
    %swap3A_428 = arith.constant 80 : index
    %swap3A_429 = tpu.vector_load %arg6[%swap3A_427, %swap3A_428] {strides = array<i32>} : memref<8x128xi32, #tpu.memory_space<vmem>>, vector<1x16xi32>,
    %swap3A_430 = vector.shape_cast %swap3A_429 : vector<1x16xi32> to vector<16xi32>
    %swap3A_431 = vector.shape_cast %get3A_425 : vector<16xi32> to vector<1x16xi32>
    tpu.vector_store %arg6[%swap3A_427, %swap3A_428], %swap3A_431 {strides = array<i32>} : memref<8x128xi32, #tpu.memory_space<vmem>>, vector<1x16xi32>,
    %get3A_432 = arith.constant 608 : index
    %get3A_433 = tpu.vector_load %arg5[%get3A_432] {strides = array<i32>} : memref<1024xi32, #tpu.memory_space<vmem>>, vector<16xi32>,
    %get3A_434 = vector.shape_cast %get3A_433 : vector<16xi32> to vector<16xi32>
    %swap3A_435 = arith.constant 4 : i32
    %swap3A_436 = arith.index_cast %swap3A_435 : i32 to index
    %swap3A_437 = arith.constant 96 : index
    %swap3A_438 = tpu.vector_load %arg6[%swap3A_436, %swap3A_437] {strides = array<i32>} : memref<8x128xi32, #tpu.memory_space<vmem>>, vector<1x16xi32>,
    %swap3A_439 = vector.shape_cast %swap3A_438 : vector<1x16xi32> to vector<16xi32>
    %swap3A_440 = vector.shape_cast %get3A_434 : vector<16xi32> to vector<1x16xi32>
    tpu.vector_store %arg6[%swap3A_436, %swap3A_437], %swap3A_440 {strides = array<i32>} : memref<8x128xi32, #tpu.memory_space<vmem>>, vector<1x16xi32>,
    %get3A_441 = arith.constant 624 : index
    %get3A_442 = tpu.vector_load %arg5[%get3A_441] {strides = array<i32>} : memref<1024xi32, #tpu.memory_space<vmem>>, vector<16xi32>,
    %get3A_443 = vector.shape_cast %get3A_442 : vector<16xi32> to vector<16xi32>
    %swap3A_444 = arith.constant 4 : i32
    %swap3A_445 = arith.index_cast %swap3A_444 : i32 to index
    %swap3A_446 = arith.constant 112 : index
    %swap3A_447 = tpu.vector_load %arg6[%swap3A_445, %swap3A_446] {strides = array<i32>} : memref<8x128xi32, #tpu.memory_space<vmem>>, vector<1x16xi32>,
    %swap3A_448 = vector.shape_cast %swap3A_447 : vector<1x16xi32> to vector<16xi32>
    %swap3A_449 = vector.shape_cast %get3A_443 : vector<16xi32> to vector<1x16xi32>
    tpu.vector_store %arg6[%swap3A_445, %swap3A_446], %swap3A_449 {strides = array<i32>} : memref<8x128xi32, #tpu.memory_space<vmem>>, vector<1x16xi32>,
    %dma_start3A_450 = arith.constant 4 : i32
    %dma_start3A_451 = arith.constant 4 : i32
    %dma_start3A_452 = arith.constant 4 : i32
    %dma_start3A_453 = arith.constant 0 : i32
    %dma_start3A_454 = arith.constant 0 : i32
    %dma_start3A_455 = tpu.memref_slice %arg7[%dma_start3A_451, %dma_start3A_453, %dma_start3A_454] : memref<6x128x128xf32, #tpu.memory_space<vmem>> -> memref<1x128x128xf32, #tpu.memory_space<vmem>>
    %dma_start3A_456 = tpu.memref_squeeze %dma_start3A_455 : memref<1x128x128xf32, #tpu.memory_space<vmem>> -> memref<128x128xf32, #tpu.memory_space<vmem>>
    %dma_start3A_457 = arith.constant 0 : i32
    %dma_start3A_458 = tpu.memref_slice %arg6[%dma_start3A_450, %dma_start3A_457] : memref<8x128xi32, #tpu.memory_space<vmem>> -> memref<1x128xi32, #tpu.memory_space<vmem>>
    %dma_start3A_459 = tpu.memref_squeeze %dma_start3A_458 : memref<1x128xi32, #tpu.memory_space<vmem>> -> memref<128xi32, #tpu.memory_space<vmem>>
    %dma_start3A_460 = arith.constant 0 : i32
    %dma_start3A_461 = arith.constant 0 : i32
    %dma_start3A_462 = tpu.memref_slice %arg3[%dma_start3A_460, %dma_start3A_461] : memref<100000x128xf32, #tpu.memory_space<hbm>> -> memref<100000x128xf32, #tpu.memory_space<hbm>>
    %dma_start3A_463 = tpu.memref_slice %arg8[%dma_start3A_452] : memref<6x!tpu.dma_semaphore, #tpu.memory_space<semaphore_mem>> -> memref<1x!tpu.dma_semaphore, #tpu.memory_space<semaphore_mem>>
    %dma_start3A_464 = tpu.memref_squeeze %dma_start3A_463 : memref<1x!tpu.dma_semaphore, #tpu.memory_space<semaphore_mem>> -> memref<!tpu.dma_semaphore, #tpu.memory_space<semaphore_mem>>
    tpu.enqueue_indirect_dma source(%dma_start3A_462 : memref<100000x128xf32, #tpu.memory_space<hbm>>) target(%dma_start3A_456 : memref<128x128xf32, #tpu.memory_space<vmem>>) offsets(%dma_start3A_459 : memref<128xi32, #tpu.memory_space<vmem>>) semaphore(%dma_start3A_464 : memref<!tpu.dma_semaphore, #tpu.memory_space<semaphore_mem>>)
    %get3A_465 = arith.constant 640 : index
    %get3A_466 = tpu.vector_load %arg5[%get3A_465] {strides = array<i32>} : memref<1024xi32, #tpu.memory_space<vmem>>, vector<16xi32>,
    %get3A_467 = vector.shape_cast %get3A_466 : vector<16xi32> to vector<16xi32>
    %swap3A_468 = arith.constant 5 : i32
    %swap3A_469 = arith.index_cast %swap3A_468 : i32 to index
    %swap3A_470 = arith.constant 0 : index
    %swap3A_471 = tpu.vector_load %arg6[%swap3A_469, %swap3A_470] {strides = array<i32>} : memref<8x128xi32, #tpu.memory_space<vmem>>, vector<1x16xi32>,
    %swap3A_472 = vector.shape_cast %swap3A_471 : vector<1x16xi32> to vector<16xi32>
    %swap3A_473 = vector.shape_cast %get3A_467 : vector<16xi32> to vector<1x16xi32>
    tpu.vector_store %arg6[%swap3A_469, %swap3A_470], %swap3A_473 {strides = array<i32>} : memref<8x128xi32, #tpu.memory_space<vmem>>, vector<1x16xi32>,
    %get3A_474 = arith.constant 656 : index
    %get3A_475 = tpu.vector_load %arg5[%get3A_474] {strides = array<i32>} : memref<1024xi32, #tpu.memory_space<vmem>>, vector<16xi32>,
    %get3A_476 = vector.shape_cast %get3A_475 : vector<16xi32> to vector<16xi32>
    %swap3A_477 = arith.constant 5 : i32
    %swap3A_478 = arith.index_cast %swap3A_477 : i32 to index
    %swap3A_479 = arith.constant 16 : index
    %swap3A_480 = tpu.vector_load %arg6[%swap3A_478, %swap3A_479] {strides = array<i32>} : memref<8x128xi32, #tpu.memory_space<vmem>>, vector<1x16xi32>,
    %swap3A_481 = vector.shape_cast %swap3A_480 : vector<1x16xi32> to vector<16xi32>
    %swap3A_482 = vector.shape_cast %get3A_476 : vector<16xi32> to vector<1x16xi32>
    tpu.vector_store %arg6[%swap3A_478, %swap3A_479], %swap3A_482 {strides = array<i32>} : memref<8x128xi32, #tpu.memory_space<vmem>>, vector<1x16xi32>,
    %get3A_483 = arith.constant 672 : index
    %get3A_484 = tpu.vector_load %arg5[%get3A_483] {strides = array<i32>} : memref<1024xi32, #tpu.memory_space<vmem>>, vector<16xi32>,
    %get3A_485 = vector.shape_cast %get3A_484 : vector<16xi32> to vector<16xi32>
    %swap3A_486 = arith.constant 5 : i32
    %swap3A_487 = arith.index_cast %swap3A_486 : i32 to index
    %swap3A_488 = arith.constant 32 : index
    %swap3A_489 = tpu.vector_load %arg6[%swap3A_487, %swap3A_488] {strides = array<i32>} : memref<8x128xi32, #tpu.memory_space<vmem>>, vector<1x16xi32>,
    %swap3A_490 = vector.shape_cast %swap3A_489 : vector<1x16xi32> to vector<16xi32>
    %swap3A_491 = vector.shape_cast %get3A_485 : vector<16xi32> to vector<1x16xi32>
    tpu.vector_store %arg6[%swap3A_487, %swap3A_488], %swap3A_491 {strides = array<i32>} : memref<8x128xi32, #tpu.memory_space<vmem>>, vector<1x16xi32>,
    %get3A_492 = arith.constant 688 : index
    %get3A_493 = tpu.vector_load %arg5[%get3A_492] {strides = array<i32>} : memref<1024xi32, #tpu.memory_space<vmem>>, vector<16xi32>,
    %get3A_494 = vector.shape_cast %get3A_493 : vector<16xi32> to vector<16xi32>
    %swap3A_495 = arith.constant 5 : i32
    %swap3A_496 = arith.index_cast %swap3A_495 : i32 to index
    %swap3A_497 = arith.constant 48 : index
    %swap3A_498 = tpu.vector_load %arg6[%swap3A_496, %swap3A_497] {strides = array<i32>} : memref<8x128xi32, #tpu.memory_space<vmem>>, vector<1x16xi32>,
    %swap3A_499 = vector.shape_cast %swap3A_498 : vector<1x16xi32> to vector<16xi32>
    %swap3A_500 = vector.shape_cast %get3A_494 : vector<16xi32> to vector<1x16xi32>
    tpu.vector_store %arg6[%swap3A_496, %swap3A_497], %swap3A_500 {strides = array<i32>} : memref<8x128xi32, #tpu.memory_space<vmem>>, vector<1x16xi32>,
    %get3A_501 = arith.constant 704 : index
    %get3A_502 = tpu.vector_load %arg5[%get3A_501] {strides = array<i32>} : memref<1024xi32, #tpu.memory_space<vmem>>, vector<16xi32>,
    %get3A_503 = vector.shape_cast %get3A_502 : vector<16xi32> to vector<16xi32>
    %swap3A_504 = arith.constant 5 : i32
    %swap3A_505 = arith.index_cast %swap3A_504 : i32 to index
    %swap3A_506 = arith.constant 64 : index
    %swap3A_507 = tpu.vector_load %arg6[%swap3A_505, %swap3A_506] {strides = array<i32>} : memref<8x128xi32, #tpu.memory_space<vmem>>, vector<1x16xi32>,
    %swap3A_508 = vector.shape_cast %swap3A_507 : vector<1x16xi32> to vector<16xi32>
    %swap3A_509 = vector.shape_cast %get3A_503 : vector<16xi32> to vector<1x16xi32>
    tpu.vector_store %arg6[%swap3A_505, %swap3A_506], %swap3A_509 {strides = array<i32>} : memref<8x128xi32, #tpu.memory_space<vmem>>, vector<1x16xi32>,
    %get3A_510 = arith.constant 720 : index
    %get3A_511 = tpu.vector_load %arg5[%get3A_510] {strides = array<i32>} : memref<1024xi32, #tpu.memory_space<vmem>>, vector<16xi32>,
    %get3A_512 = vector.shape_cast %get3A_511 : vector<16xi32> to vector<16xi32>
    %swap3A_513 = arith.constant 5 : i32
    %swap3A_514 = arith.index_cast %swap3A_513 : i32 to index
    %swap3A_515 = arith.constant 80 : index
    %swap3A_516 = tpu.vector_load %arg6[%swap3A_514, %swap3A_515] {strides = array<i32>} : memref<8x128xi32, #tpu.memory_space<vmem>>, vector<1x16xi32>,
    %swap3A_517 = vector.shape_cast %swap3A_516 : vector<1x16xi32> to vector<16xi32>
    %swap3A_518 = vector.shape_cast %get3A_512 : vector<16xi32> to vector<1x16xi32>
    tpu.vector_store %arg6[%swap3A_514, %swap3A_515], %swap3A_518 {strides = array<i32>} : memref<8x128xi32, #tpu.memory_space<vmem>>, vector<1x16xi32>,
    %get3A_519 = arith.constant 736 : index
    %get3A_520 = tpu.vector_load %arg5[%get3A_519] {strides = array<i32>} : memref<1024xi32, #tpu.memory_space<vmem>>, vector<16xi32>,
    %get3A_521 = vector.shape_cast %get3A_520 : vector<16xi32> to vector<16xi32>
    %swap3A_522 = arith.constant 5 : i32
    %swap3A_523 = arith.index_cast %swap3A_522 : i32 to index
    %swap3A_524 = arith.constant 96 : index
    %swap3A_525 = tpu.vector_load %arg6[%swap3A_523, %swap3A_524] {strides = array<i32>} : memref<8x128xi32, #tpu.memory_space<vmem>>, vector<1x16xi32>,
    %swap3A_526 = vector.shape_cast %swap3A_525 : vector<1x16xi32> to vector<16xi32>
    %swap3A_527 = vector.shape_cast %get3A_521 : vector<16xi32> to vector<1x16xi32>
    tpu.vector_store %arg6[%swap3A_523, %swap3A_524], %swap3A_527 {strides = array<i32>} : memref<8x128xi32, #tpu.memory_space<vmem>>, vector<1x16xi32>,
    %get3A_528 = arith.constant 752 : index
    %get3A_529 = tpu.vector_load %arg5[%get3A_528] {strides = array<i32>} : memref<1024xi32, #tpu.memory_space<vmem>>, vector<16xi32>,
    %get3A_530 = vector.shape_cast %get3A_529 : vector<16xi32> to vector<16xi32>
    %swap3A_531 = arith.constant 5 : i32
    %swap3A_532 = arith.index_cast %swap3A_531 : i32 to index
    %swap3A_533 = arith.constant 112 : index
    %swap3A_534 = tpu.vector_load %arg6[%swap3A_532, %swap3A_533] {strides = array<i32>} : memref<8x128xi32, #tpu.memory_space<vmem>>, vector<1x16xi32>,
    %swap3A_535 = vector.shape_cast %swap3A_534 : vector<1x16xi32> to vector<16xi32>
    %swap3A_536 = vector.shape_cast %get3A_530 : vector<16xi32> to vector<1x16xi32>
    tpu.vector_store %arg6[%swap3A_532, %swap3A_533], %swap3A_536 {strides = array<i32>} : memref<8x128xi32, #tpu.memory_space<vmem>>, vector<1x16xi32>,
    %dma_start3A_537 = arith.constant 5 : i32
    %dma_start3A_538 = arith.constant 5 : i32
    %dma_start3A_539 = arith.constant 5 : i32
    %dma_start3A_540 = arith.constant 0 : i32
    %dma_start3A_541 = arith.constant 0 : i32
    %dma_start3A_542 = tpu.memref_slice %arg7[%dma_start3A_538, %dma_start3A_540, %dma_start3A_541] : memref<6x128x128xf32, #tpu.memory_space<vmem>> -> memref<1x128x128xf32, #tpu.memory_space<vmem>>
    %dma_start3A_543 = tpu.memref_squeeze %dma_start3A_542 : memref<1x128x128xf32, #tpu.memory_space<vmem>> -> memref<128x128xf32, #tpu.memory_space<vmem>>
    %dma_start3A_544 = arith.constant 0 : i32
    %dma_start3A_545 = tpu.memref_slice %arg6[%dma_start3A_537, %dma_start3A_544] : memref<8x128xi32, #tpu.memory_space<vmem>> -> memref<1x128xi32, #tpu.memory_space<vmem>>
    %dma_start3A_546 = tpu.memref_squeeze %dma_start3A_545 : memref<1x128xi32, #tpu.memory_space<vmem>> -> memref<128xi32, #tpu.memory_space<vmem>>
    %dma_start3A_547 = arith.constant 0 : i32
    %dma_start3A_548 = arith.constant 0 : i32
    %dma_start3A_549 = tpu.memref_slice %arg3[%dma_start3A_547, %dma_start3A_548] : memref<100000x128xf32, #tpu.memory_space<hbm>> -> memref<100000x128xf32, #tpu.memory_space<hbm>>
    %dma_start3A_550 = tpu.memref_slice %arg8[%dma_start3A_539] : memref<6x!tpu.dma_semaphore, #tpu.memory_space<semaphore_mem>> -> memref<1x!tpu.dma_semaphore, #tpu.memory_space<semaphore_mem>>
    %dma_start3A_551 = tpu.memref_squeeze %dma_start3A_550 : memref<1x!tpu.dma_semaphore, #tpu.memory_space<semaphore_mem>> -> memref<!tpu.dma_semaphore, #tpu.memory_space<semaphore_mem>>
    tpu.enqueue_indirect_dma source(%dma_start3A_549 : memref<100000x128xf32, #tpu.memory_space<hbm>>) target(%dma_start3A_543 : memref<128x128xf32, #tpu.memory_space<vmem>>) offsets(%dma_start3A_546 : memref<128xi32, #tpu.memory_space<vmem>>) semaphore(%dma_start3A_551 : memref<!tpu.dma_semaphore, #tpu.memory_space<semaphore_mem>>)
    %get3A_552 = arith.constant 768 : index
    %get3A_553 = tpu.vector_load %arg5[%get3A_552] {strides = array<i32>} : memref<1024xi32, #tpu.memory_space<vmem>>, vector<16xi32>,
    %get3A_554 = vector.shape_cast %get3A_553 : vector<16xi32> to vector<16xi32>
    %swap3A_555 = arith.constant 6 : i32
    %swap3A_556 = arith.index_cast %swap3A_555 : i32 to index
    %swap3A_557 = arith.constant 0 : index
    %swap3A_558 = tpu.vector_load %arg6[%swap3A_556, %swap3A_557] {strides = array<i32>} : memref<8x128xi32, #tpu.memory_space<vmem>>, vector<1x16xi32>,
    %swap3A_559 = vector.shape_cast %swap3A_558 : vector<1x16xi32> to vector<16xi32>
    %swap3A_560 = vector.shape_cast %get3A_554 : vector<16xi32> to vector<1x16xi32>
    tpu.vector_store %arg6[%swap3A_556, %swap3A_557], %swap3A_560 {strides = array<i32>} : memref<8x128xi32, #tpu.memory_space<vmem>>, vector<1x16xi32>,
    %get3A_561 = arith.constant 784 : index
    %get3A_562 = tpu.vector_load %arg5[%get3A_561] {strides = array<i32>} : memref<1024xi32, #tpu.memory_space<vmem>>, vector<16xi32>,
    %get3A_563 = vector.shape_cast %get3A_562 : vector<16xi32> to vector<16xi32>
    %swap3A_564 = arith.constant 6 : i32
    %swap3A_565 = arith.index_cast %swap3A_564 : i32 to index
    %swap3A_566 = arith.constant 16 : index
    %swap3A_567 = tpu.vector_load %arg6[%swap3A_565, %swap3A_566] {strides = array<i32>} : memref<8x128xi32, #tpu.memory_space<vmem>>, vector<1x16xi32>,
    %swap3A_568 = vector.shape_cast %swap3A_567 : vector<1x16xi32> to vector<16xi32>
    %swap3A_569 = vector.shape_cast %get3A_563 : vector<16xi32> to vector<1x16xi32>
    tpu.vector_store %arg6[%swap3A_565, %swap3A_566], %swap3A_569 {strides = array<i32>} : memref<8x128xi32, #tpu.memory_space<vmem>>, vector<1x16xi32>,
    %get3A_570 = arith.constant 800 : index
    %get3A_571 = tpu.vector_load %arg5[%get3A_570] {strides = array<i32>} : memref<1024xi32, #tpu.memory_space<vmem>>, vector<16xi32>,
    %get3A_572 = vector.shape_cast %get3A_571 : vector<16xi32> to vector<16xi32>
    %swap3A_573 = arith.constant 6 : i32
    %swap3A_574 = arith.index_cast %swap3A_573 : i32 to index
    %swap3A_575 = arith.constant 32 : index
    %swap3A_576 = tpu.vector_load %arg6[%swap3A_574, %swap3A_575] {strides = array<i32>} : memref<8x128xi32, #tpu.memory_space<vmem>>, vector<1x16xi32>,
    %swap3A_577 = vector.shape_cast %swap3A_576 : vector<1x16xi32> to vector<16xi32>
    %swap3A_578 = vector.shape_cast %get3A_572 : vector<16xi32> to vector<1x16xi32>
    tpu.vector_store %arg6[%swap3A_574, %swap3A_575], %swap3A_578 {strides = array<i32>} : memref<8x128xi32, #tpu.memory_space<vmem>>, vector<1x16xi32>,
    %get3A_579 = arith.constant 816 : index
    %get3A_580 = tpu.vector_load %arg5[%get3A_579] {strides = array<i32>} : memref<1024xi32, #tpu.memory_space<vmem>>, vector<16xi32>,
    %get3A_581 = vector.shape_cast %get3A_580 : vector<16xi32> to vector<16xi32>
    %swap3A_582 = arith.constant 6 : i32
    %swap3A_583 = arith.index_cast %swap3A_582 : i32 to index
    %swap3A_584 = arith.constant 48 : index
    %swap3A_585 = tpu.vector_load %arg6[%swap3A_583, %swap3A_584] {strides = array<i32>} : memref<8x128xi32, #tpu.memory_space<vmem>>, vector<1x16xi32>,
    %swap3A_586 = vector.shape_cast %swap3A_585 : vector<1x16xi32> to vector<16xi32>
    %swap3A_587 = vector.shape_cast %get3A_581 : vector<16xi32> to vector<1x16xi32>
    tpu.vector_store %arg6[%swap3A_583, %swap3A_584], %swap3A_587 {strides = array<i32>} : memref<8x128xi32, #tpu.memory_space<vmem>>, vector<1x16xi32>,
    %get3A_588 = arith.constant 832 : index
    %get3A_589 = tpu.vector_load %arg5[%get3A_588] {strides = array<i32>} : memref<1024xi32, #tpu.memory_space<vmem>>, vector<16xi32>,
    %get3A_590 = vector.shape_cast %get3A_589 : vector<16xi32> to vector<16xi32>
    %swap3A_591 = arith.constant 6 : i32
    %swap3A_592 = arith.index_cast %swap3A_591 : i32 to index
    %swap3A_593 = arith.constant 64 : index
    %swap3A_594 = tpu.vector_load %arg6[%swap3A_592, %swap3A_593] {strides = array<i32>} : memref<8x128xi32, #tpu.memory_space<vmem>>, vector<1x16xi32>,
    %swap3A_595 = vector.shape_cast %swap3A_594 : vector<1x16xi32> to vector<16xi32>
    %swap3A_596 = vector.shape_cast %get3A_590 : vector<16xi32> to vector<1x16xi32>
    tpu.vector_store %arg6[%swap3A_592, %swap3A_593], %swap3A_596 {strides = array<i32>} : memref<8x128xi32, #tpu.memory_space<vmem>>, vector<1x16xi32>,
    %get3A_597 = arith.constant 848 : index
    %get3A_598 = tpu.vector_load %arg5[%get3A_597] {strides = array<i32>} : memref<1024xi32, #tpu.memory_space<vmem>>, vector<16xi32>,
    %get3A_599 = vector.shape_cast %get3A_598 : vector<16xi32> to vector<16xi32>
    %swap3A_600 = arith.constant 6 : i32
    %swap3A_601 = arith.index_cast %swap3A_600 : i32 to index
    %swap3A_602 = arith.constant 80 : index
    %swap3A_603 = tpu.vector_load %arg6[%swap3A_601, %swap3A_602] {strides = array<i32>} : memref<8x128xi32, #tpu.memory_space<vmem>>, vector<1x16xi32>,
    %swap3A_604 = vector.shape_cast %swap3A_603 : vector<1x16xi32> to vector<16xi32>
    %swap3A_605 = vector.shape_cast %get3A_599 : vector<16xi32> to vector<1x16xi32>
    tpu.vector_store %arg6[%swap3A_601, %swap3A_602], %swap3A_605 {strides = array<i32>} : memref<8x128xi32, #tpu.memory_space<vmem>>, vector<1x16xi32>,
    %get3A_606 = arith.constant 864 : index
    %get3A_607 = tpu.vector_load %arg5[%get3A_606] {strides = array<i32>} : memref<1024xi32, #tpu.memory_space<vmem>>, vector<16xi32>,
    %get3A_608 = vector.shape_cast %get3A_607 : vector<16xi32> to vector<16xi32>
    %swap3A_609 = arith.constant 6 : i32
    %swap3A_610 = arith.index_cast %swap3A_609 : i32 to index
    %swap3A_611 = arith.constant 96 : index
    %swap3A_612 = tpu.vector_load %arg6[%swap3A_610, %swap3A_611] {strides = array<i32>} : memref<8x128xi32, #tpu.memory_space<vmem>>, vector<1x16xi32>,
    %swap3A_613 = vector.shape_cast %swap3A_612 : vector<1x16xi32> to vector<16xi32>
    %swap3A_614 = vector.shape_cast %get3A_608 : vector<16xi32> to vector<1x16xi32>
    tpu.vector_store %arg6[%swap3A_610, %swap3A_611], %swap3A_614 {strides = array<i32>} : memref<8x128xi32, #tpu.memory_space<vmem>>, vector<1x16xi32>,
    %get3A_615 = arith.constant 880 : index
    %get3A_616 = tpu.vector_load %arg5[%get3A_615] {strides = array<i32>} : memref<1024xi32, #tpu.memory_space<vmem>>, vector<16xi32>,
    %get3A_617 = vector.shape_cast %get3A_616 : vector<16xi32> to vector<16xi32>
    %swap3A_618 = arith.constant 6 : i32
    %swap3A_619 = arith.index_cast %swap3A_618 : i32 to index
    %swap3A_620 = arith.constant 112 : index
    %swap3A_621 = tpu.vector_load %arg6[%swap3A_619, %swap3A_620] {strides = array<i32>} : memref<8x128xi32, #tpu.memory_space<vmem>>, vector<1x16xi32>,
    %swap3A_622 = vector.shape_cast %swap3A_621 : vector<1x16xi32> to vector<16xi32>
    %swap3A_623 = vector.shape_cast %get3A_617 : vector<16xi32> to vector<1x16xi32>
    tpu.vector_store %arg6[%swap3A_619, %swap3A_620], %swap3A_623 {strides = array<i32>} : memref<8x128xi32, #tpu.memory_space<vmem>>, vector<1x16xi32>,
    %get3A_624 = arith.constant 896 : index
    %get3A_625 = tpu.vector_load %arg5[%get3A_624] {strides = array<i32>} : memref<1024xi32, #tpu.memory_space<vmem>>, vector<16xi32>,
    %get3A_626 = vector.shape_cast %get3A_625 : vector<16xi32> to vector<16xi32>
    %swap3A_627 = arith.constant 7 : i32
    %swap3A_628 = arith.index_cast %swap3A_627 : i32 to index
    %swap3A_629 = arith.constant 0 : index
    %swap3A_630 = tpu.vector_load %arg6[%swap3A_628, %swap3A_629] {strides = array<i32>} : memref<8x128xi32, #tpu.memory_space<vmem>>, vector<1x16xi32>,
    %swap3A_631 = vector.shape_cast %swap3A_630 : vector<1x16xi32> to vector<16xi32>
    %swap3A_632 = vector.shape_cast %get3A_626 : vector<16xi32> to vector<1x16xi32>
    tpu.vector_store %arg6[%swap3A_628, %swap3A_629], %swap3A_632 {strides = array<i32>} : memref<8x128xi32, #tpu.memory_space<vmem>>, vector<1x16xi32>,
    %get3A_633 = arith.constant 912 : index
    %get3A_634 = tpu.vector_load %arg5[%get3A_633] {strides = array<i32>} : memref<1024xi32, #tpu.memory_space<vmem>>, vector<16xi32>,
    %get3A_635 = vector.shape_cast %get3A_634 : vector<16xi32> to vector<16xi32>
    %swap3A_636 = arith.constant 7 : i32
    %swap3A_637 = arith.index_cast %swap3A_636 : i32 to index
    %swap3A_638 = arith.constant 16 : index
    %swap3A_639 = tpu.vector_load %arg6[%swap3A_637, %swap3A_638] {strides = array<i32>} : memref<8x128xi32, #tpu.memory_space<vmem>>, vector<1x16xi32>,
    %swap3A_640 = vector.shape_cast %swap3A_639 : vector<1x16xi32> to vector<16xi32>
    %swap3A_641 = vector.shape_cast %get3A_635 : vector<16xi32> to vector<1x16xi32>
    tpu.vector_store %arg6[%swap3A_637, %swap3A_638], %swap3A_641 {strides = array<i32>} : memref<8x128xi32, #tpu.memory_space<vmem>>, vector<1x16xi32>,
    %get3A_642 = arith.constant 928 : index
    %get3A_643 = tpu.vector_load %arg5[%get3A_642] {strides = array<i32>} : memref<1024xi32, #tpu.memory_space<vmem>>, vector<16xi32>,
    %get3A_644 = vector.shape_cast %get3A_643 : vector<16xi32> to vector<16xi32>
    %swap3A_645 = arith.constant 7 : i32
    %swap3A_646 = arith.index_cast %swap3A_645 : i32 to index
    %swap3A_647 = arith.constant 32 : index
    %swap3A_648 = tpu.vector_load %arg6[%swap3A_646, %swap3A_647] {strides = array<i32>} : memref<8x128xi32, #tpu.memory_space<vmem>>, vector<1x16xi32>,
    %swap3A_649 = vector.shape_cast %swap3A_648 : vector<1x16xi32> to vector<16xi32>
    %swap3A_650 = vector.shape_cast %get3A_644 : vector<16xi32> to vector<1x16xi32>
    tpu.vector_store %arg6[%swap3A_646, %swap3A_647], %swap3A_650 {strides = array<i32>} : memref<8x128xi32, #tpu.memory_space<vmem>>, vector<1x16xi32>,
    %get3A_651 = arith.constant 944 : index
    %get3A_652 = tpu.vector_load %arg5[%get3A_651] {strides = array<i32>} : memref<1024xi32, #tpu.memory_space<vmem>>, vector<16xi32>,
    %get3A_653 = vector.shape_cast %get3A_652 : vector<16xi32> to vector<16xi32>
    %swap3A_654 = arith.constant 7 : i32
    %swap3A_655 = arith.index_cast %swap3A_654 : i32 to index
    %swap3A_656 = arith.constant 48 : index
    %swap3A_657 = tpu.vector_load %arg6[%swap3A_655, %swap3A_656] {strides = array<i32>} : memref<8x128xi32, #tpu.memory_space<vmem>>, vector<1x16xi32>,
    %swap3A_658 = vector.shape_cast %swap3A_657 : vector<1x16xi32> to vector<16xi32>
    %swap3A_659 = vector.shape_cast %get3A_653 : vector<16xi32> to vector<1x16xi32>
    tpu.vector_store %arg6[%swap3A_655, %swap3A_656], %swap3A_659 {strides = array<i32>} : memref<8x128xi32, #tpu.memory_space<vmem>>, vector<1x16xi32>,
    %get3A_660 = arith.constant 960 : index
    %get3A_661 = tpu.vector_load %arg5[%get3A_660] {strides = array<i32>} : memref<1024xi32, #tpu.memory_space<vmem>>, vector<16xi32>,
    %get3A_662 = vector.shape_cast %get3A_661 : vector<16xi32> to vector<16xi32>
    %swap3A_663 = arith.constant 7 : i32
    %swap3A_664 = arith.index_cast %swap3A_663 : i32 to index
    %swap3A_665 = arith.constant 64 : index
    %swap3A_666 = tpu.vector_load %arg6[%swap3A_664, %swap3A_665] {strides = array<i32>} : memref<8x128xi32, #tpu.memory_space<vmem>>, vector<1x16xi32>,
    %swap3A_667 = vector.shape_cast %swap3A_666 : vector<1x16xi32> to vector<16xi32>
    %swap3A_668 = vector.shape_cast %get3A_662 : vector<16xi32> to vector<1x16xi32>
    tpu.vector_store %arg6[%swap3A_664, %swap3A_665], %swap3A_668 {strides = array<i32>} : memref<8x128xi32, #tpu.memory_space<vmem>>, vector<1x16xi32>,
    %get3A_669 = arith.constant 976 : index
    %get3A_670 = tpu.vector_load %arg5[%get3A_669] {strides = array<i32>} : memref<1024xi32, #tpu.memory_space<vmem>>, vector<16xi32>,
    %get3A_671 = vector.shape_cast %get3A_670 : vector<16xi32> to vector<16xi32>
    %swap3A_672 = arith.constant 7 : i32
    %swap3A_673 = arith.index_cast %swap3A_672 : i32 to index
    %swap3A_674 = arith.constant 80 : index
    %swap3A_675 = tpu.vector_load %arg6[%swap3A_673, %swap3A_674] {strides = array<i32>} : memref<8x128xi32, #tpu.memory_space<vmem>>, vector<1x16xi32>,
    %swap3A_676 = vector.shape_cast %swap3A_675 : vector<1x16xi32> to vector<16xi32>
    %swap3A_677 = vector.shape_cast %get3A_671 : vector<16xi32> to vector<1x16xi32>
    tpu.vector_store %arg6[%swap3A_673, %swap3A_674], %swap3A_677 {strides = array<i32>} : memref<8x128xi32, #tpu.memory_space<vmem>>, vector<1x16xi32>,
    %get3A_678 = arith.constant 992 : index
    %get3A_679 = tpu.vector_load %arg5[%get3A_678] {strides = array<i32>} : memref<1024xi32, #tpu.memory_space<vmem>>, vector<16xi32>,
    %get3A_680 = vector.shape_cast %get3A_679 : vector<16xi32> to vector<16xi32>
    %swap3A_681 = arith.constant 7 : i32
    %swap3A_682 = arith.index_cast %swap3A_681 : i32 to index
    %swap3A_683 = arith.constant 96 : index
    %swap3A_684 = tpu.vector_load %arg6[%swap3A_682, %swap3A_683] {strides = array<i32>} : memref<8x128xi32, #tpu.memory_space<vmem>>, vector<1x16xi32>,
    %swap3A_685 = vector.shape_cast %swap3A_684 : vector<1x16xi32> to vector<16xi32>
    %swap3A_686 = vector.shape_cast %get3A_680 : vector<16xi32> to vector<1x16xi32>
    tpu.vector_store %arg6[%swap3A_682, %swap3A_683], %swap3A_686 {strides = array<i32>} : memref<8x128xi32, #tpu.memory_space<vmem>>, vector<1x16xi32>,
    %get3A_687 = arith.constant 1008 : index
    %get3A_688 = tpu.vector_load %arg5[%get3A_687] {strides = array<i32>} : memref<1024xi32, #tpu.memory_space<vmem>>, vector<16xi32>,
    %get3A_689 = vector.shape_cast %get3A_688 : vector<16xi32> to vector<16xi32>
    %swap3A_690 = arith.constant 7 : i32
    %swap3A_691 = arith.index_cast %swap3A_690 : i32 to index
    %swap3A_692 = arith.constant 112 : index
    %swap3A_693 = tpu.vector_load %arg6[%swap3A_691, %swap3A_692] {strides = array<i32>} : memref<8x128xi32, #tpu.memory_space<vmem>>, vector<1x16xi32>,
    %swap3A_694 = vector.shape_cast %swap3A_693 : vector<1x16xi32> to vector<16xi32>
    %swap3A_695 = vector.shape_cast %get3A_689 : vector<16xi32> to vector<1x16xi32>
    tpu.vector_store %arg6[%swap3A_691, %swap3A_692], %swap3A_695 {strides = array<i32>} : memref<8x128xi32, #tpu.memory_space<vmem>>, vector<1x16xi32>,
    %dma_wait3A = arith.constant 0 : i32
    %dma_wait3A_696 = arith.constant 0 : i32
    %dma_wait3A_697 = arith.constant 0 : i32
    %dma_wait3A_698 = arith.constant 0 : i32
    %dma_wait3A_699 = arith.constant 0 : i32
    %dma_wait3A_700 = tpu.memref_slice %arg7[%dma_wait3A_696, %dma_wait3A_698, %dma_wait3A_699] : memref<6x128x128xf32, #tpu.memory_space<vmem>> -> memref<1x128x128xf32, #tpu.memory_space<vmem>>
    %dma_wait3A_701 = tpu.memref_squeeze %dma_wait3A_700 : memref<1x128x128xf32, #tpu.memory_space<vmem>> -> memref<128x128xf32, #tpu.memory_space<vmem>>
    %dma_wait3A_702 = arith.constant 0 : i32
    %dma_wait3A_703 = tpu.memref_slice %arg6[%dma_wait3A, %dma_wait3A_702] : memref<8x128xi32, #tpu.memory_space<vmem>> -> memref<1x128xi32, #tpu.memory_space<vmem>>
    %dma_wait3A_704 = tpu.memref_squeeze %dma_wait3A_703 : memref<1x128xi32, #tpu.memory_space<vmem>> -> memref<128xi32, #tpu.memory_space<vmem>>
    %dma_wait3A_705 = arith.constant 0 : i32
    %dma_wait3A_706 = arith.constant 0 : i32
    %dma_wait3A_707 = tpu.memref_slice %arg3[%dma_wait3A_705, %dma_wait3A_706] : memref<100000x128xf32, #tpu.memory_space<hbm>> -> memref<100000x128xf32, #tpu.memory_space<hbm>>
    %dma_wait3A_708 = tpu.memref_slice %arg8[%dma_wait3A_697] : memref<6x!tpu.dma_semaphore, #tpu.memory_space<semaphore_mem>> -> memref<1x!tpu.dma_semaphore, #tpu.memory_space<semaphore_mem>>
    %dma_wait3A_709 = tpu.memref_squeeze %dma_wait3A_708 : memref<1x!tpu.dma_semaphore, #tpu.memory_space<semaphore_mem>> -> memref<!tpu.dma_semaphore, #tpu.memory_space<semaphore_mem>>
    tpu.wait_indirect_dma semaphore(%dma_wait3A_709 : memref<!tpu.dma_semaphore, #tpu.memory_space<semaphore_mem>>) src(%dma_wait3A_707 : memref<100000x128xf32, #tpu.memory_space<hbm>>) dst(%dma_wait3A_701 : memref<128x128xf32, #tpu.memory_space<vmem>>)
    %add3A_710 = arith.constant 0 : i32
    %add3A_711 = arith.addi %mul3A_2, %add3A_710 : i32
    %dma_start3A_712 = arith.constant 0 : i32
    %dma_start3A_713 = arith.constant 0 : i32
    %dma_start3A_714 = arith.constant 0 : i32
    %dma_start3A_715 = arith.constant 0 : i32
    %dma_start3A_716 = tpu.memref_slice %arg7[%dma_start3A_712, %dma_start3A_714, %dma_start3A_715] : memref<6x128x128xf32, #tpu.memory_space<vmem>> -> memref<1x128x128xf32, #tpu.memory_space<vmem>>
    %dma_start3A_717 = tpu.memref_squeeze %dma_start3A_716 : memref<1x128x128xf32, #tpu.memory_space<vmem>> -> memref<128x128xf32, #tpu.memory_space<vmem>>
    %dma_start3A_718 = arith.constant 0 : i32
    %dma_start3A_719 = tpu.memref_slice %arg4[%add3A_711, %dma_start3A_718] : memref<32768x128xf32, #tpu.memory_space<hbm>> -> memref<128x128xf32, #tpu.memory_space<hbm>>
    %dma_start3A_720 = tpu.memref_slice %arg9[%dma_start3A_713] : memref<6x!tpu.dma_semaphore, #tpu.memory_space<semaphore_mem>> -> memref<1x!tpu.dma_semaphore, #tpu.memory_space<semaphore_mem>>
    %dma_start3A_721 = tpu.memref_squeeze %dma_start3A_720 : memref<1x!tpu.dma_semaphore, #tpu.memory_space<semaphore_mem>> -> memref<!tpu.dma_semaphore, #tpu.memory_space<semaphore_mem>>
    %dma_start3A_722 = arith.constant 0 : i32
    %dma_start3A_723 = tpu.memref_slice %arg4[%add3A_711, %dma_start3A_722] : memref<32768x128xf32, #tpu.memory_space<hbm>> -> memref<128x128xf32, #tpu.memory_space<hbm>>
    %dma_start3A_724 = arith.constant 0 : i32
    %dma_start3A_725 = arith.constant 0 : i32
    %dma_start3A_726 = tpu.memref_slice %arg7[%dma_start3A_712, %dma_start3A_724, %dma_start3A_725] : memref<6x128x128xf32, #tpu.memory_space<vmem>> -> memref<1x128x128xf32, #tpu.memory_space<vmem>>
    %dma_start3A_727 = tpu.memref_squeeze %dma_start3A_726 : memref<1x128x128xf32, #tpu.memory_space<vmem>> -> memref<128x128xf32, #tpu.memory_space<vmem>>
    tpu.enqueue_dma source(%dma_start3A_727 : memref<128x128xf32, #tpu.memory_space<vmem>>) target(%dma_start3A_723 : memref<128x128xf32, #tpu.memory_space<hbm>>) target_semaphore(%dma_start3A_721 : memref<!tpu.dma_semaphore, #tpu.memory_space<semaphore_mem>>)
    %add3A_728 = arith.constant 0 : i32
    %add3A_729 = arith.addi %mul3A_2, %add3A_728 : i32
    %dma_wait3A_730 = arith.constant 0 : i32
    %dma_wait3A_731 = arith.constant 0 : i32
    %dma_wait3A_732 = arith.constant 0 : i32
    %dma_wait3A_733 = arith.constant 0 : i32
    %dma_wait3A_734 = tpu.memref_slice %arg7[%dma_wait3A_730, %dma_wait3A_732, %dma_wait3A_733] : memref<6x128x128xf32, #tpu.memory_space<vmem>> -> memref<1x128x128xf32, #tpu.memory_space<vmem>>
    %dma_wait3A_735 = tpu.memref_squeeze %dma_wait3A_734 : memref<1x128x128xf32, #tpu.memory_space<vmem>> -> memref<128x128xf32, #tpu.memory_space<vmem>>
    %dma_wait3A_736 = arith.constant 0 : i32
    %dma_wait3A_737 = tpu.memref_slice %arg4[%add3A_729, %dma_wait3A_736] : memref<32768x128xf32, #tpu.memory_space<hbm>> -> memref<128x128xf32, #tpu.memory_space<hbm>>
    %dma_wait3A_738 = tpu.memref_slice %arg9[%dma_wait3A_731] : memref<6x!tpu.dma_semaphore, #tpu.memory_space<semaphore_mem>> -> memref<1x!tpu.dma_semaphore, #tpu.memory_space<semaphore_mem>>
    %dma_wait3A_739 = tpu.memref_squeeze %dma_wait3A_738 : memref<1x!tpu.dma_semaphore, #tpu.memory_space<semaphore_mem>> -> memref<!tpu.dma_semaphore, #tpu.memory_space<semaphore_mem>>
    %dma_wait3A_740 = arith.constant 0 : i32
    %dma_wait3A_741 = tpu.memref_slice %arg4[%add3A_729, %dma_wait3A_740] : memref<32768x128xf32, #tpu.memory_space<hbm>> -> memref<128x128xf32, #tpu.memory_space<hbm>>
    %dma_wait3A_742 = arith.constant 0 : i32
    %dma_wait3A_743 = arith.constant 0 : i32
    %dma_wait3A_744 = tpu.memref_slice %arg7[%dma_wait3A_730, %dma_wait3A_742, %dma_wait3A_743] : memref<6x128x128xf32, #tpu.memory_space<vmem>> -> memref<1x128x128xf32, #tpu.memory_space<vmem>>
    %dma_wait3A_745 = tpu.memref_squeeze %dma_wait3A_744 : memref<1x128x128xf32, #tpu.memory_space<vmem>> -> memref<128x128xf32, #tpu.memory_space<vmem>>
    tpu.wait_dma2 semaphore(%dma_wait3A_739 : memref<!tpu.dma_semaphore, #tpu.memory_space<semaphore_mem>>) src(%dma_wait3A_745 : memref<128x128xf32, #tpu.memory_space<vmem>>) dst(%dma_wait3A_741 : memref<128x128xf32, #tpu.memory_space<hbm>>)
    %dma_start3A_746 = arith.constant 6 : i32
    %dma_start3A_747 = arith.constant 0 : i32
    %dma_start3A_748 = arith.constant 0 : i32
    %dma_start3A_749 = arith.constant 0 : i32
    %dma_start3A_750 = arith.constant 0 : i32
    %dma_start3A_751 = tpu.memref_slice %arg7[%dma_start3A_747, %dma_start3A_749, %dma_start3A_750] : memref<6x128x128xf32, #tpu.memory_space<vmem>> -> memref<1x128x128xf32, #tpu.memory_space<vmem>>
    %dma_start3A_752 = tpu.memref_squeeze %dma_start3A_751 : memref<1x128x128xf32, #tpu.memory_space<vmem>> -> memref<128x128xf32, #tpu.memory_space<vmem>>
    %dma_start3A_753 = arith.constant 0 : i32
    %dma_start3A_754 = tpu.memref_slice %arg6[%dma_start3A_746, %dma_start3A_753] : memref<8x128xi32, #tpu.memory_space<vmem>> -> memref<1x128xi32, #tpu.memory_space<vmem>>
    %dma_start3A_755 = tpu.memref_squeeze %dma_start3A_754 : memref<1x128xi32, #tpu.memory_space<vmem>> -> memref<128xi32, #tpu.memory_space<vmem>>
    %dma_start3A_756 = arith.constant 0 : i32
    %dma_start3A_757 = arith.constant 0 : i32
    %dma_start3A_758 = tpu.memref_slice %arg3[%dma_start3A_756, %dma_start3A_757] : memref<100000x128xf32, #tpu.memory_space<hbm>> -> memref<100000x128xf32, #tpu.memory_space<hbm>>
    %dma_start3A_759 = tpu.memref_slice %arg8[%dma_start3A_748] : memref<6x!tpu.dma_semaphore, #tpu.memory_space<semaphore_mem>> -> memref<1x!tpu.dma_semaphore, #tpu.memory_space<semaphore_mem>>
    %dma_start3A_760 = tpu.memref_squeeze %dma_start3A_759 : memref<1x!tpu.dma_semaphore, #tpu.memory_space<semaphore_mem>> -> memref<!tpu.dma_semaphore, #tpu.memory_space<semaphore_mem>>
    tpu.enqueue_indirect_dma source(%dma_start3A_758 : memref<100000x128xf32, #tpu.memory_space<hbm>>) target(%dma_start3A_752 : memref<128x128xf32, #tpu.memory_space<vmem>>) offsets(%dma_start3A_755 : memref<128xi32, #tpu.memory_space<vmem>>) semaphore(%dma_start3A_760 : memref<!tpu.dma_semaphore, #tpu.memory_space<semaphore_mem>>)
    %dma_wait3A_761 = arith.constant 1 : i32
    %dma_wait3A_762 = arith.constant 1 : i32
    %dma_wait3A_763 = arith.constant 1 : i32
    %dma_wait3A_764 = arith.constant 0 : i32
    %dma_wait3A_765 = arith.constant 0 : i32
    %dma_wait3A_766 = tpu.memref_slice %arg7[%dma_wait3A_762, %dma_wait3A_764, %dma_wait3A_765] : memref<6x128x128xf32, #tpu.memory_space<vmem>> -> memref<1x128x128xf32, #tpu.memory_space<vmem>>
    %dma_wait3A_767 = tpu.memref_squeeze %dma_wait3A_766 : memref<1x128x128xf32, #tpu.memory_space<vmem>> -> memref<128x128xf32, #tpu.memory_space<vmem>>
    %dma_wait3A_768 = arith.constant 0 : i32
    %dma_wait3A_769 = tpu.memref_slice %arg6[%dma_wait3A_761, %dma_wait3A_768] : memref<8x128xi32, #tpu.memory_space<vmem>> -> memref<1x128xi32, #tpu.memory_space<vmem>>
    %dma_wait3A_770 = tpu.memref_squeeze %dma_wait3A_769 : memref<1x128xi32, #tpu.memory_space<vmem>> -> memref<128xi32, #tpu.memory_space<vmem>>
    %dma_wait3A_771 = arith.constant 0 : i32
    %dma_wait3A_772 = arith.constant 0 : i32
    %dma_wait3A_773 = tpu.memref_slice %arg3[%dma_wait3A_771, %dma_wait3A_772] : memref<100000x128xf32, #tpu.memory_space<hbm>> -> memref<100000x128xf32, #tpu.memory_space<hbm>>
    %dma_wait3A_774 = tpu.memref_slice %arg8[%dma_wait3A_763] : memref<6x!tpu.dma_semaphore, #tpu.memory_space<semaphore_mem>> -> memref<1x!tpu.dma_semaphore, #tpu.memory_space<semaphore_mem>>
    %dma_wait3A_775 = tpu.memref_squeeze %dma_wait3A_774 : memref<1x!tpu.dma_semaphore, #tpu.memory_space<semaphore_mem>> -> memref<!tpu.dma_semaphore, #tpu.memory_space<semaphore_mem>>
    tpu.wait_indirect_dma semaphore(%dma_wait3A_775 : memref<!tpu.dma_semaphore, #tpu.memory_space<semaphore_mem>>) src(%dma_wait3A_773 : memref<100000x128xf32, #tpu.memory_space<hbm>>) dst(%dma_wait3A_767 : memref<128x128xf32, #tpu.memory_space<vmem>>)
    %add3A_776 = arith.constant 128 : i32
    %add3A_777 = arith.addi %mul3A_2, %add3A_776 : i32
    %dma_start3A_778 = arith.constant 1 : i32
    %dma_start3A_779 = arith.constant 1 : i32
    %dma_start3A_780 = arith.constant 0 : i32
    %dma_start3A_781 = arith.constant 0 : i32
    %dma_start3A_782 = tpu.memref_slice %arg7[%dma_start3A_778, %dma_start3A_780, %dma_start3A_781] : memref<6x128x128xf32, #tpu.memory_space<vmem>> -> memref<1x128x128xf32, #tpu.memory_space<vmem>>
    %dma_start3A_783 = tpu.memref_squeeze %dma_start3A_782 : memref<1x128x128xf32, #tpu.memory_space<vmem>> -> memref<128x128xf32, #tpu.memory_space<vmem>>
    %dma_start3A_784 = arith.constant 0 : i32
    %dma_start3A_785 = tpu.memref_slice %arg4[%add3A_777, %dma_start3A_784] : memref<32768x128xf32, #tpu.memory_space<hbm>> -> memref<128x128xf32, #tpu.memory_space<hbm>>
    %dma_start3A_786 = tpu.memref_slice %arg9[%dma_start3A_779] : memref<6x!tpu.dma_semaphore, #tpu.memory_space<semaphore_mem>> -> memref<1x!tpu.dma_semaphore, #tpu.memory_space<semaphore_mem>>
    %dma_start3A_787 = tpu.memref_squeeze %dma_start3A_786 : memref<1x!tpu.dma_semaphore, #tpu.memory_space<semaphore_mem>> -> memref<!tpu.dma_semaphore, #tpu.memory_space<semaphore_mem>>
    %dma_start3A_788 = arith.constant 0 : i32
    %dma_start3A_789 = tpu.memref_slice %arg4[%add3A_777, %dma_start3A_788] : memref<32768x128xf32, #tpu.memory_space<hbm>> -> memref<128x128xf32, #tpu.memory_space<hbm>>
    %dma_start3A_790 = arith.constant 0 : i32
    %dma_start3A_791 = arith.constant 0 : i32
    %dma_start3A_792 = tpu.memref_slice %arg7[%dma_start3A_778, %dma_start3A_790, %dma_start3A_791] : memref<6x128x128xf32, #tpu.memory_space<vmem>> -> memref<1x128x128xf32, #tpu.memory_space<vmem>>
    %dma_start3A_793 = tpu.memref_squeeze %dma_start3A_792 : memref<1x128x128xf32, #tpu.memory_space<vmem>> -> memref<128x128xf32, #tpu.memory_space<vmem>>
    tpu.enqueue_dma source(%dma_start3A_793 : memref<128x128xf32, #tpu.memory_space<vmem>>) target(%dma_start3A_789 : memref<128x128xf32, #tpu.memory_space<hbm>>) target_semaphore(%dma_start3A_787 : memref<!tpu.dma_semaphore, #tpu.memory_space<semaphore_mem>>)
    %add3A_794 = arith.constant 128 : i32
    %add3A_795 = arith.addi %mul3A_2, %add3A_794 : i32
    %dma_wait3A_796 = arith.constant 1 : i32
    %dma_wait3A_797 = arith.constant 1 : i32
    %dma_wait3A_798 = arith.constant 0 : i32
    %dma_wait3A_799 = arith.constant 0 : i32
    %dma_wait3A_800 = tpu.memref_slice %arg7[%dma_wait3A_796, %dma_wait3A_798, %dma_wait3A_799] : memref<6x128x128xf32, #tpu.memory_space<vmem>> -> memref<1x128x128xf32, #tpu.memory_space<vmem>>
    %dma_wait3A_801 = tpu.memref_squeeze %dma_wait3A_800 : memref<1x128x128xf32, #tpu.memory_space<vmem>> -> memref<128x128xf32, #tpu.memory_space<vmem>>
    %dma_wait3A_802 = arith.constant 0 : i32
    %dma_wait3A_803 = tpu.memref_slice %arg4[%add3A_795, %dma_wait3A_802] : memref<32768x128xf32, #tpu.memory_space<hbm>> -> memref<128x128xf32, #tpu.memory_space<hbm>>
    %dma_wait3A_804 = tpu.memref_slice %arg9[%dma_wait3A_797] : memref<6x!tpu.dma_semaphore, #tpu.memory_space<semaphore_mem>> -> memref<1x!tpu.dma_semaphore, #tpu.memory_space<semaphore_mem>>
    %dma_wait3A_805 = tpu.memref_squeeze %dma_wait3A_804 : memref<1x!tpu.dma_semaphore, #tpu.memory_space<semaphore_mem>> -> memref<!tpu.dma_semaphore, #tpu.memory_space<semaphore_mem>>
    %dma_wait3A_806 = arith.constant 0 : i32
    %dma_wait3A_807 = tpu.memref_slice %arg4[%add3A_795, %dma_wait3A_806] : memref<32768x128xf32, #tpu.memory_space<hbm>> -> memref<128x128xf32, #tpu.memory_space<hbm>>
    %dma_wait3A_808 = arith.constant 0 : i32
    %dma_wait3A_809 = arith.constant 0 : i32
    %dma_wait3A_810 = tpu.memref_slice %arg7[%dma_wait3A_796, %dma_wait3A_808, %dma_wait3A_809] : memref<6x128x128xf32, #tpu.memory_space<vmem>> -> memref<1x128x128xf32, #tpu.memory_space<vmem>>
    %dma_wait3A_811 = tpu.memref_squeeze %dma_wait3A_810 : memref<1x128x128xf32, #tpu.memory_space<vmem>> -> memref<128x128xf32, #tpu.memory_space<vmem>>
    tpu.wait_dma2 semaphore(%dma_wait3A_805 : memref<!tpu.dma_semaphore, #tpu.memory_space<semaphore_mem>>) src(%dma_wait3A_811 : memref<128x128xf32, #tpu.memory_space<vmem>>) dst(%dma_wait3A_807 : memref<128x128xf32, #tpu.memory_space<hbm>>)
    %dma_start3A_812 = arith.constant 7 : i32
    %dma_start3A_813 = arith.constant 1 : i32
    %dma_start3A_814 = arith.constant 1 : i32
    %dma_start3A_815 = arith.constant 0 : i32
    %dma_start3A_816 = arith.constant 0 : i32
    %dma_start3A_817 = tpu.memref_slice %arg7[%dma_start3A_813, %dma_start3A_815, %dma_start3A_816] : memref<6x128x128xf32, #tpu.memory_space<vmem>> -> memref<1x128x128xf32, #tpu.memory_space<vmem>>
    %dma_start3A_818 = tpu.memref_squeeze %dma_start3A_817 : memref<1x128x128xf32, #tpu.memory_space<vmem>> -> memref<128x128xf32, #tpu.memory_space<vmem>>
    %dma_start3A_819 = arith.constant 0 : i32
    %dma_start3A_820 = tpu.memref_slice %arg6[%dma_start3A_812, %dma_start3A_819] : memref<8x128xi32, #tpu.memory_space<vmem>> -> memref<1x128xi32, #tpu.memory_space<vmem>>
    %dma_start3A_821 = tpu.memref_squeeze %dma_start3A_820 : memref<1x128xi32, #tpu.memory_space<vmem>> -> memref<128xi32, #tpu.memory_space<vmem>>
    %dma_start3A_822 = arith.constant 0 : i32
    %dma_start3A_823 = arith.constant 0 : i32
    %dma_start3A_824 = tpu.memref_slice %arg3[%dma_start3A_822, %dma_start3A_823] : memref<100000x128xf32, #tpu.memory_space<hbm>> -> memref<100000x128xf32, #tpu.memory_space<hbm>>
    %dma_start3A_825 = tpu.memref_slice %arg8[%dma_start3A_814] : memref<6x!tpu.dma_semaphore, #tpu.memory_space<semaphore_mem>> -> memref<1x!tpu.dma_semaphore, #tpu.memory_space<semaphore_mem>>
    %dma_start3A_826 = tpu.memref_squeeze %dma_start3A_825 : memref<1x!tpu.dma_semaphore, #tpu.memory_space<semaphore_mem>> -> memref<!tpu.dma_semaphore, #tpu.memory_space<semaphore_mem>>
    tpu.enqueue_indirect_dma source(%dma_start3A_824 : memref<100000x128xf32, #tpu.memory_space<hbm>>) target(%dma_start3A_818 : memref<128x128xf32, #tpu.memory_space<vmem>>) offsets(%dma_start3A_821 : memref<128xi32, #tpu.memory_space<vmem>>) semaphore(%dma_start3A_826 : memref<!tpu.dma_semaphore, #tpu.memory_space<semaphore_mem>>)
    %dma_wait3A_827 = arith.constant 2 : i32
    %dma_wait3A_828 = arith.constant 2 : i32
    %dma_wait3A_829 = arith.constant 2 : i32
    %dma_wait3A_830 = arith.constant 0 : i32
    %dma_wait3A_831 = arith.constant 0 : i32
    %dma_wait3A_832 = tpu.memref_slice %arg7[%dma_wait3A_828, %dma_wait3A_830, %dma_wait3A_831] : memref<6x128x128xf32, #tpu.memory_space<vmem>> -> memref<1x128x128xf32, #tpu.memory_space<vmem>>
    %dma_wait3A_833 = tpu.memref_squeeze %dma_wait3A_832 : memref<1x128x128xf32, #tpu.memory_space<vmem>> -> memref<128x128xf32, #tpu.memory_space<vmem>>
    %dma_wait3A_834 = arith.constant 0 : i32
    %dma_wait3A_835 = tpu.memref_slice %arg6[%dma_wait3A_827, %dma_wait3A_834] : memref<8x128xi32, #tpu.memory_space<vmem>> -> memref<1x128xi32, #tpu.memory_space<vmem>>
    %dma_wait3A_836 = tpu.memref_squeeze %dma_wait3A_835 : memref<1x128xi32, #tpu.memory_space<vmem>> -> memref<128xi32, #tpu.memory_space<vmem>>
    %dma_wait3A_837 = arith.constant 0 : i32
    %dma_wait3A_838 = arith.constant 0 : i32
    %dma_wait3A_839 = tpu.memref_slice %arg3[%dma_wait3A_837, %dma_wait3A_838] : memref<100000x128xf32, #tpu.memory_space<hbm>> -> memref<100000x128xf32, #tpu.memory_space<hbm>>
    %dma_wait3A_840 = tpu.memref_slice %arg8[%dma_wait3A_829] : memref<6x!tpu.dma_semaphore, #tpu.memory_space<semaphore_mem>> -> memref<1x!tpu.dma_semaphore, #tpu.memory_space<semaphore_mem>>
    %dma_wait3A_841 = tpu.memref_squeeze %dma_wait3A_840 : memref<1x!tpu.dma_semaphore, #tpu.memory_space<semaphore_mem>> -> memref<!tpu.dma_semaphore, #tpu.memory_space<semaphore_mem>>
    tpu.wait_indirect_dma semaphore(%dma_wait3A_841 : memref<!tpu.dma_semaphore, #tpu.memory_space<semaphore_mem>>) src(%dma_wait3A_839 : memref<100000x128xf32, #tpu.memory_space<hbm>>) dst(%dma_wait3A_833 : memref<128x128xf32, #tpu.memory_space<vmem>>)
    %add3A_842 = arith.constant 256 : i32
    %add3A_843 = arith.addi %mul3A_2, %add3A_842 : i32
    %dma_start3A_844 = arith.constant 2 : i32
    %dma_start3A_845 = arith.constant 2 : i32
    %dma_start3A_846 = arith.constant 0 : i32
    %dma_start3A_847 = arith.constant 0 : i32
    %dma_start3A_848 = tpu.memref_slice %arg7[%dma_start3A_844, %dma_start3A_846, %dma_start3A_847] : memref<6x128x128xf32, #tpu.memory_space<vmem>> -> memref<1x128x128xf32, #tpu.memory_space<vmem>>
    %dma_start3A_849 = tpu.memref_squeeze %dma_start3A_848 : memref<1x128x128xf32, #tpu.memory_space<vmem>> -> memref<128x128xf32, #tpu.memory_space<vmem>>
    %dma_start3A_850 = arith.constant 0 : i32
    %dma_start3A_851 = tpu.memref_slice %arg4[%add3A_843, %dma_start3A_850] : memref<32768x128xf32, #tpu.memory_space<hbm>> -> memref<128x128xf32, #tpu.memory_space<hbm>>
    %dma_start3A_852 = tpu.memref_slice %arg9[%dma_start3A_845] : memref<6x!tpu.dma_semaphore, #tpu.memory_space<semaphore_mem>> -> memref<1x!tpu.dma_semaphore, #tpu.memory_space<semaphore_mem>>
    %dma_start3A_853 = tpu.memref_squeeze %dma_start3A_852 : memref<1x!tpu.dma_semaphore, #tpu.memory_space<semaphore_mem>> -> memref<!tpu.dma_semaphore, #tpu.memory_space<semaphore_mem>>
    %dma_start3A_854 = arith.constant 0 : i32
    %dma_start3A_855 = tpu.memref_slice %arg4[%add3A_843, %dma_start3A_854] : memref<32768x128xf32, #tpu.memory_space<hbm>> -> memref<128x128xf32, #tpu.memory_space<hbm>>
    %dma_start3A_856 = arith.constant 0 : i32
    %dma_start3A_857 = arith.constant 0 : i32
    %dma_start3A_858 = tpu.memref_slice %arg7[%dma_start3A_844, %dma_start3A_856, %dma_start3A_857] : memref<6x128x128xf32, #tpu.memory_space<vmem>> -> memref<1x128x128xf32, #tpu.memory_space<vmem>>
    %dma_start3A_859 = tpu.memref_squeeze %dma_start3A_858 : memref<1x128x128xf32, #tpu.memory_space<vmem>> -> memref<128x128xf32, #tpu.memory_space<vmem>>
    tpu.enqueue_dma source(%dma_start3A_859 : memref<128x128xf32, #tpu.memory_space<vmem>>) target(%dma_start3A_855 : memref<128x128xf32, #tpu.memory_space<hbm>>) target_semaphore(%dma_start3A_853 : memref<!tpu.dma_semaphore, #tpu.memory_space<semaphore_mem>>)
    %dma_wait3A_860 = arith.constant 3 : i32
    %dma_wait3A_861 = arith.constant 3 : i32
    %dma_wait3A_862 = arith.constant 3 : i32
    %dma_wait3A_863 = arith.constant 0 : i32
    %dma_wait3A_864 = arith.constant 0 : i32
    %dma_wait3A_865 = tpu.memref_slice %arg7[%dma_wait3A_861, %dma_wait3A_863, %dma_wait3A_864] : memref<6x128x128xf32, #tpu.memory_space<vmem>> -> memref<1x128x128xf32, #tpu.memory_space<vmem>>
    %dma_wait3A_866 = tpu.memref_squeeze %dma_wait3A_865 : memref<1x128x128xf32, #tpu.memory_space<vmem>> -> memref<128x128xf32, #tpu.memory_space<vmem>>
    %dma_wait3A_867 = arith.constant 0 : i32
    %dma_wait3A_868 = tpu.memref_slice %arg6[%dma_wait3A_860, %dma_wait3A_867] : memref<8x128xi32, #tpu.memory_space<vmem>> -> memref<1x128xi32, #tpu.memory_space<vmem>>
    %dma_wait3A_869 = tpu.memref_squeeze %dma_wait3A_868 : memref<1x128xi32, #tpu.memory_space<vmem>> -> memref<128xi32, #tpu.memory_space<vmem>>
    %dma_wait3A_870 = arith.constant 0 : i32
    %dma_wait3A_871 = arith.constant 0 : i32
    %dma_wait3A_872 = tpu.memref_slice %arg3[%dma_wait3A_870, %dma_wait3A_871] : memref<100000x128xf32, #tpu.memory_space<hbm>> -> memref<100000x128xf32, #tpu.memory_space<hbm>>
    %dma_wait3A_873 = tpu.memref_slice %arg8[%dma_wait3A_862] : memref<6x!tpu.dma_semaphore, #tpu.memory_space<semaphore_mem>> -> memref<1x!tpu.dma_semaphore, #tpu.memory_space<semaphore_mem>>
    %dma_wait3A_874 = tpu.memref_squeeze %dma_wait3A_873 : memref<1x!tpu.dma_semaphore, #tpu.memory_space<semaphore_mem>> -> memref<!tpu.dma_semaphore, #tpu.memory_space<semaphore_mem>>
    tpu.wait_indirect_dma semaphore(%dma_wait3A_874 : memref<!tpu.dma_semaphore, #tpu.memory_space<semaphore_mem>>) src(%dma_wait3A_872 : memref<100000x128xf32, #tpu.memory_space<hbm>>) dst(%dma_wait3A_866 : memref<128x128xf32, #tpu.memory_space<vmem>>)
    %add3A_875 = arith.constant 384 : i32
    %add3A_876 = arith.addi %mul3A_2, %add3A_875 : i32
    %dma_start3A_877 = arith.constant 3 : i32
    %dma_start3A_878 = arith.constant 3 : i32
    %dma_start3A_879 = arith.constant 0 : i32
    %dma_start3A_880 = arith.constant 0 : i32
    %dma_start3A_881 = tpu.memref_slice %arg7[%dma_start3A_877, %dma_start3A_879, %dma_start3A_880] : memref<6x128x128xf32, #tpu.memory_space<vmem>> -> memref<1x128x128xf32, #tpu.memory_space<vmem>>
    %dma_start3A_882 = tpu.memref_squeeze %dma_start3A_881 : memref<1x128x128xf32, #tpu.memory_space<vmem>> -> memref<128x128xf32, #tpu.memory_space<vmem>>
    %dma_start3A_883 = arith.constant 0 : i32
    %dma_start3A_884 = tpu.memref_slice %arg4[%add3A_876, %dma_start3A_883] : memref<32768x128xf32, #tpu.memory_space<hbm>> -> memref<128x128xf32, #tpu.memory_space<hbm>>
    %dma_start3A_885 = tpu.memref_slice %arg9[%dma_start3A_878] : memref<6x!tpu.dma_semaphore, #tpu.memory_space<semaphore_mem>> -> memref<1x!tpu.dma_semaphore, #tpu.memory_space<semaphore_mem>>
    %dma_start3A_886 = tpu.memref_squeeze %dma_start3A_885 : memref<1x!tpu.dma_semaphore, #tpu.memory_space<semaphore_mem>> -> memref<!tpu.dma_semaphore, #tpu.memory_space<semaphore_mem>>
    %dma_start3A_887 = arith.constant 0 : i32
    %dma_start3A_888 = tpu.memref_slice %arg4[%add3A_876, %dma_start3A_887] : memref<32768x128xf32, #tpu.memory_space<hbm>> -> memref<128x128xf32, #tpu.memory_space<hbm>>
    %dma_start3A_889 = arith.constant 0 : i32
    %dma_start3A_890 = arith.constant 0 : i32
    %dma_start3A_891 = tpu.memref_slice %arg7[%dma_start3A_877, %dma_start3A_889, %dma_start3A_890] : memref<6x128x128xf32, #tpu.memory_space<vmem>> -> memref<1x128x128xf32, #tpu.memory_space<vmem>>
    %dma_start3A_892 = tpu.memref_squeeze %dma_start3A_891 : memref<1x128x128xf32, #tpu.memory_space<vmem>> -> memref<128x128xf32, #tpu.memory_space<vmem>>
    tpu.enqueue_dma source(%dma_start3A_892 : memref<128x128xf32, #tpu.memory_space<vmem>>) target(%dma_start3A_888 : memref<128x128xf32, #tpu.memory_space<hbm>>) target_semaphore(%dma_start3A_886 : memref<!tpu.dma_semaphore, #tpu.memory_space<semaphore_mem>>)
    %dma_wait3A_893 = arith.constant 4 : i32
    %dma_wait3A_894 = arith.constant 4 : i32
    %dma_wait3A_895 = arith.constant 4 : i32
    %dma_wait3A_896 = arith.constant 0 : i32
    %dma_wait3A_897 = arith.constant 0 : i32
    %dma_wait3A_898 = tpu.memref_slice %arg7[%dma_wait3A_894, %dma_wait3A_896, %dma_wait3A_897] : memref<6x128x128xf32, #tpu.memory_space<vmem>> -> memref<1x128x128xf32, #tpu.memory_space<vmem>>
    %dma_wait3A_899 = tpu.memref_squeeze %dma_wait3A_898 : memref<1x128x128xf32, #tpu.memory_space<vmem>> -> memref<128x128xf32, #tpu.memory_space<vmem>>
    %dma_wait3A_900 = arith.constant 0 : i32
    %dma_wait3A_901 = tpu.memref_slice %arg6[%dma_wait3A_893, %dma_wait3A_900] : memref<8x128xi32, #tpu.memory_space<vmem>> -> memref<1x128xi32, #tpu.memory_space<vmem>>
    %dma_wait3A_902 = tpu.memref_squeeze %dma_wait3A_901 : memref<1x128xi32, #tpu.memory_space<vmem>> -> memref<128xi32, #tpu.memory_space<vmem>>
    %dma_wait3A_903 = arith.constant 0 : i32
    %dma_wait3A_904 = arith.constant 0 : i32
    %dma_wait3A_905 = tpu.memref_slice %arg3[%dma_wait3A_903, %dma_wait3A_904] : memref<100000x128xf32, #tpu.memory_space<hbm>> -> memref<100000x128xf32, #tpu.memory_space<hbm>>
    %dma_wait3A_906 = tpu.memref_slice %arg8[%dma_wait3A_895] : memref<6x!tpu.dma_semaphore, #tpu.memory_space<semaphore_mem>> -> memref<1x!tpu.dma_semaphore, #tpu.memory_space<semaphore_mem>>
    %dma_wait3A_907 = tpu.memref_squeeze %dma_wait3A_906 : memref<1x!tpu.dma_semaphore, #tpu.memory_space<semaphore_mem>> -> memref<!tpu.dma_semaphore, #tpu.memory_space<semaphore_mem>>
    tpu.wait_indirect_dma semaphore(%dma_wait3A_907 : memref<!tpu.dma_semaphore, #tpu.memory_space<semaphore_mem>>) src(%dma_wait3A_905 : memref<100000x128xf32, #tpu.memory_space<hbm>>) dst(%dma_wait3A_899 : memref<128x128xf32, #tpu.memory_space<vmem>>)
    %add3A_908 = arith.constant 512 : i32
    %add3A_909 = arith.addi %mul3A_2, %add3A_908 : i32
    %dma_start3A_910 = arith.constant 4 : i32
    %dma_start3A_911 = arith.constant 4 : i32
    %dma_start3A_912 = arith.constant 0 : i32
    %dma_start3A_913 = arith.constant 0 : i32
    %dma_start3A_914 = tpu.memref_slice %arg7[%dma_start3A_910, %dma_start3A_912, %dma_start3A_913] : memref<6x128x128xf32, #tpu.memory_space<vmem>> -> memref<1x128x128xf32, #tpu.memory_space<vmem>>
    %dma_start3A_915 = tpu.memref_squeeze %dma_start3A_914 : memref<1x128x128xf32, #tpu.memory_space<vmem>> -> memref<128x128xf32, #tpu.memory_space<vmem>>
    %dma_start3A_916 = arith.constant 0 : i32
    %dma_start3A_917 = tpu.memref_slice %arg4[%add3A_909, %dma_start3A_916] : memref<32768x128xf32, #tpu.memory_space<hbm>> -> memref<128x128xf32, #tpu.memory_space<hbm>>
    %dma_start3A_918 = tpu.memref_slice %arg9[%dma_start3A_911] : memref<6x!tpu.dma_semaphore, #tpu.memory_space<semaphore_mem>> -> memref<1x!tpu.dma_semaphore, #tpu.memory_space<semaphore_mem>>
    %dma_start3A_919 = tpu.memref_squeeze %dma_start3A_918 : memref<1x!tpu.dma_semaphore, #tpu.memory_space<semaphore_mem>> -> memref<!tpu.dma_semaphore, #tpu.memory_space<semaphore_mem>>
    %dma_start3A_920 = arith.constant 0 : i32
    %dma_start3A_921 = tpu.memref_slice %arg4[%add3A_909, %dma_start3A_920] : memref<32768x128xf32, #tpu.memory_space<hbm>> -> memref<128x128xf32, #tpu.memory_space<hbm>>
    %dma_start3A_922 = arith.constant 0 : i32
    %dma_start3A_923 = arith.constant 0 : i32
    %dma_start3A_924 = tpu.memref_slice %arg7[%dma_start3A_910, %dma_start3A_922, %dma_start3A_923] : memref<6x128x128xf32, #tpu.memory_space<vmem>> -> memref<1x128x128xf32, #tpu.memory_space<vmem>>
    %dma_start3A_925 = tpu.memref_squeeze %dma_start3A_924 : memref<1x128x128xf32, #tpu.memory_space<vmem>> -> memref<128x128xf32, #tpu.memory_space<vmem>>
    tpu.enqueue_dma source(%dma_start3A_925 : memref<128x128xf32, #tpu.memory_space<vmem>>) target(%dma_start3A_921 : memref<128x128xf32, #tpu.memory_space<hbm>>) target_semaphore(%dma_start3A_919 : memref<!tpu.dma_semaphore, #tpu.memory_space<semaphore_mem>>)
    %dma_wait3A_926 = arith.constant 5 : i32
    %dma_wait3A_927 = arith.constant 5 : i32
    %dma_wait3A_928 = arith.constant 5 : i32
    %dma_wait3A_929 = arith.constant 0 : i32
    %dma_wait3A_930 = arith.constant 0 : i32
    %dma_wait3A_931 = tpu.memref_slice %arg7[%dma_wait3A_927, %dma_wait3A_929, %dma_wait3A_930] : memref<6x128x128xf32, #tpu.memory_space<vmem>> -> memref<1x128x128xf32, #tpu.memory_space<vmem>>
    %dma_wait3A_932 = tpu.memref_squeeze %dma_wait3A_931 : memref<1x128x128xf32, #tpu.memory_space<vmem>> -> memref<128x128xf32, #tpu.memory_space<vmem>>
    %dma_wait3A_933 = arith.constant 0 : i32
    %dma_wait3A_934 = tpu.memref_slice %arg6[%dma_wait3A_926, %dma_wait3A_933] : memref<8x128xi32, #tpu.memory_space<vmem>> -> memref<1x128xi32, #tpu.memory_space<vmem>>
    %dma_wait3A_935 = tpu.memref_squeeze %dma_wait3A_934 : memref<1x128xi32, #tpu.memory_space<vmem>> -> memref<128xi32, #tpu.memory_space<vmem>>
    %dma_wait3A_936 = arith.constant 0 : i32
    %dma_wait3A_937 = arith.constant 0 : i32
    %dma_wait3A_938 = tpu.memref_slice %arg3[%dma_wait3A_936, %dma_wait3A_937] : memref<100000x128xf32, #tpu.memory_space<hbm>> -> memref<100000x128xf32, #tpu.memory_space<hbm>>
    %dma_wait3A_939 = tpu.memref_slice %arg8[%dma_wait3A_928] : memref<6x!tpu.dma_semaphore, #tpu.memory_space<semaphore_mem>> -> memref<1x!tpu.dma_semaphore, #tpu.memory_space<semaphore_mem>>
    %dma_wait3A_940 = tpu.memref_squeeze %dma_wait3A_939 : memref<1x!tpu.dma_semaphore, #tpu.memory_space<semaphore_mem>> -> memref<!tpu.dma_semaphore, #tpu.memory_space<semaphore_mem>>
    tpu.wait_indirect_dma semaphore(%dma_wait3A_940 : memref<!tpu.dma_semaphore, #tpu.memory_space<semaphore_mem>>) src(%dma_wait3A_938 : memref<100000x128xf32, #tpu.memory_space<hbm>>) dst(%dma_wait3A_932 : memref<128x128xf32, #tpu.memory_space<vmem>>)
    %add3A_941 = arith.constant 640 : i32
    %add3A_942 = arith.addi %mul3A_2, %add3A_941 : i32
    %dma_start3A_943 = arith.constant 5 : i32
    %dma_start3A_944 = arith.constant 5 : i32
    %dma_start3A_945 = arith.constant 0 : i32
    %dma_start3A_946 = arith.constant 0 : i32
    %dma_start3A_947 = tpu.memref_slice %arg7[%dma_start3A_943, %dma_start3A_945, %dma_start3A_946] : memref<6x128x128xf32, #tpu.memory_space<vmem>> -> memref<1x128x128xf32, #tpu.memory_space<vmem>>
    %dma_start3A_948 = tpu.memref_squeeze %dma_start3A_947 : memref<1x128x128xf32, #tpu.memory_space<vmem>> -> memref<128x128xf32, #tpu.memory_space<vmem>>
    %dma_start3A_949 = arith.constant 0 : i32
    %dma_start3A_950 = tpu.memref_slice %arg4[%add3A_942, %dma_start3A_949] : memref<32768x128xf32, #tpu.memory_space<hbm>> -> memref<128x128xf32, #tpu.memory_space<hbm>>
    %dma_start3A_951 = tpu.memref_slice %arg9[%dma_start3A_944] : memref<6x!tpu.dma_semaphore, #tpu.memory_space<semaphore_mem>> -> memref<1x!tpu.dma_semaphore, #tpu.memory_space<semaphore_mem>>
    %dma_start3A_952 = tpu.memref_squeeze %dma_start3A_951 : memref<1x!tpu.dma_semaphore, #tpu.memory_space<semaphore_mem>> -> memref<!tpu.dma_semaphore, #tpu.memory_space<semaphore_mem>>
    %dma_start3A_953 = arith.constant 0 : i32
    %dma_start3A_954 = tpu.memref_slice %arg4[%add3A_942, %dma_start3A_953] : memref<32768x128xf32, #tpu.memory_space<hbm>> -> memref<128x128xf32, #tpu.memory_space<hbm>>
    %dma_start3A_955 = arith.constant 0 : i32
    %dma_start3A_956 = arith.constant 0 : i32
    %dma_start3A_957 = tpu.memref_slice %arg7[%dma_start3A_943, %dma_start3A_955, %dma_start3A_956] : memref<6x128x128xf32, #tpu.memory_space<vmem>> -> memref<1x128x128xf32, #tpu.memory_space<vmem>>
    %dma_start3A_958 = tpu.memref_squeeze %dma_start3A_957 : memref<1x128x128xf32, #tpu.memory_space<vmem>> -> memref<128x128xf32, #tpu.memory_space<vmem>>
    tpu.enqueue_dma source(%dma_start3A_958 : memref<128x128xf32, #tpu.memory_space<vmem>>) target(%dma_start3A_954 : memref<128x128xf32, #tpu.memory_space<hbm>>) target_semaphore(%dma_start3A_952 : memref<!tpu.dma_semaphore, #tpu.memory_space<semaphore_mem>>)
    %dma_wait3A_959 = arith.constant 6 : i32
    %dma_wait3A_960 = arith.constant 0 : i32
    %dma_wait3A_961 = arith.constant 0 : i32
    %dma_wait3A_962 = arith.constant 0 : i32
    %dma_wait3A_963 = arith.constant 0 : i32
    %dma_wait3A_964 = tpu.memref_slice %arg7[%dma_wait3A_960, %dma_wait3A_962, %dma_wait3A_963] : memref<6x128x128xf32, #tpu.memory_space<vmem>> -> memref<1x128x128xf32, #tpu.memory_space<vmem>>
    %dma_wait3A_965 = tpu.memref_squeeze %dma_wait3A_964 : memref<1x128x128xf32, #tpu.memory_space<vmem>> -> memref<128x128xf32, #tpu.memory_space<vmem>>
    %dma_wait3A_966 = arith.constant 0 : i32
    %dma_wait3A_967 = tpu.memref_slice %arg6[%dma_wait3A_959, %dma_wait3A_966] : memref<8x128xi32, #tpu.memory_space<vmem>> -> memref<1x128xi32, #tpu.memory_space<vmem>>
    %dma_wait3A_968 = tpu.memref_squeeze %dma_wait3A_967 : memref<1x128xi32, #tpu.memory_space<vmem>> -> memref<128xi32, #tpu.memory_space<vmem>>
    %dma_wait3A_969 = arith.constant 0 : i32
    %dma_wait3A_970 = arith.constant 0 : i32
    %dma_wait3A_971 = tpu.memref_slice %arg3[%dma_wait3A_969, %dma_wait3A_970] : memref<100000x128xf32, #tpu.memory_space<hbm>> -> memref<100000x128xf32, #tpu.memory_space<hbm>>
    %dma_wait3A_972 = tpu.memref_slice %arg8[%dma_wait3A_961] : memref<6x!tpu.dma_semaphore, #tpu.memory_space<semaphore_mem>> -> memref<1x!tpu.dma_semaphore, #tpu.memory_space<semaphore_mem>>
    %dma_wait3A_973 = tpu.memref_squeeze %dma_wait3A_972 : memref<1x!tpu.dma_semaphore, #tpu.memory_space<semaphore_mem>> -> memref<!tpu.dma_semaphore, #tpu.memory_space<semaphore_mem>>
    tpu.wait_indirect_dma semaphore(%dma_wait3A_973 : memref<!tpu.dma_semaphore, #tpu.memory_space<semaphore_mem>>) src(%dma_wait3A_971 : memref<100000x128xf32, #tpu.memory_space<hbm>>) dst(%dma_wait3A_965 : memref<128x128xf32, #tpu.memory_space<vmem>>)
    %add3A_974 = arith.constant 768 : i32
    %add3A_975 = arith.addi %mul3A_2, %add3A_974 : i32
    %dma_start3A_976 = arith.constant 0 : i32
    %dma_start3A_977 = arith.constant 0 : i32
    %dma_start3A_978 = arith.constant 0 : i32
    %dma_start3A_979 = arith.constant 0 : i32
    %dma_start3A_980 = tpu.memref_slice %arg7[%dma_start3A_976, %dma_start3A_978, %dma_start3A_979] : memref<6x128x128xf32, #tpu.memory_space<vmem>> -> memref<1x128x128xf32, #tpu.memory_space<vmem>>
    %dma_start3A_981 = tpu.memref_squeeze %dma_start3A_980 : memref<1x128x128xf32, #tpu.memory_space<vmem>> -> memref<128x128xf32, #tpu.memory_space<vmem>>
    %dma_start3A_982 = arith.constant 0 : i32
    %dma_start3A_983 = tpu.memref_slice %arg4[%add3A_975, %dma_start3A_982] : memref<32768x128xf32, #tpu.memory_space<hbm>> -> memref<128x128xf32, #tpu.memory_space<hbm>>
    %dma_start3A_984 = tpu.memref_slice %arg9[%dma_start3A_977] : memref<6x!tpu.dma_semaphore, #tpu.memory_space<semaphore_mem>> -> memref<1x!tpu.dma_semaphore, #tpu.memory_space<semaphore_mem>>
    %dma_start3A_985 = tpu.memref_squeeze %dma_start3A_984 : memref<1x!tpu.dma_semaphore, #tpu.memory_space<semaphore_mem>> -> memref<!tpu.dma_semaphore, #tpu.memory_space<semaphore_mem>>
    %dma_start3A_986 = arith.constant 0 : i32
    %dma_start3A_987 = tpu.memref_slice %arg4[%add3A_975, %dma_start3A_986] : memref<32768x128xf32, #tpu.memory_space<hbm>> -> memref<128x128xf32, #tpu.memory_space<hbm>>
    %dma_start3A_988 = arith.constant 0 : i32
    %dma_start3A_989 = arith.constant 0 : i32
    %dma_start3A_990 = tpu.memref_slice %arg7[%dma_start3A_976, %dma_start3A_988, %dma_start3A_989] : memref<6x128x128xf32, #tpu.memory_space<vmem>> -> memref<1x128x128xf32, #tpu.memory_space<vmem>>
    %dma_start3A_991 = tpu.memref_squeeze %dma_start3A_990 : memref<1x128x128xf32, #tpu.memory_space<vmem>> -> memref<128x128xf32, #tpu.memory_space<vmem>>
    tpu.enqueue_dma source(%dma_start3A_991 : memref<128x128xf32, #tpu.memory_space<vmem>>) target(%dma_start3A_987 : memref<128x128xf32, #tpu.memory_space<hbm>>) target_semaphore(%dma_start3A_985 : memref<!tpu.dma_semaphore, #tpu.memory_space<semaphore_mem>>)
    %dma_wait3A_992 = arith.constant 7 : i32
    %dma_wait3A_993 = arith.constant 1 : i32
    %dma_wait3A_994 = arith.constant 1 : i32
    %dma_wait3A_995 = arith.constant 0 : i32
    %dma_wait3A_996 = arith.constant 0 : i32
    %dma_wait3A_997 = tpu.memref_slice %arg7[%dma_wait3A_993, %dma_wait3A_995, %dma_wait3A_996] : memref<6x128x128xf32, #tpu.memory_space<vmem>> -> memref<1x128x128xf32, #tpu.memory_space<vmem>>
    %dma_wait3A_998 = tpu.memref_squeeze %dma_wait3A_997 : memref<1x128x128xf32, #tpu.memory_space<vmem>> -> memref<128x128xf32, #tpu.memory_space<vmem>>
    %dma_wait3A_999 = arith.constant 0 : i32
    %dma_wait3A_1000 = tpu.memref_slice %arg6[%dma_wait3A_992, %dma_wait3A_999] : memref<8x128xi32, #tpu.memory_space<vmem>> -> memref<1x128xi32, #tpu.memory_space<vmem>>
    %dma_wait3A_1001 = tpu.memref_squeeze %dma_wait3A_1000 : memref<1x128xi32, #tpu.memory_space<vmem>> -> memref<128xi32, #tpu.memory_space<vmem>>
    %dma_wait3A_1002 = arith.constant 0 : i32
    %dma_wait3A_1003 = arith.constant 0 : i32
    %dma_wait3A_1004 = tpu.memref_slice %arg3[%dma_wait3A_1002, %dma_wait3A_1003] : memref<100000x128xf32, #tpu.memory_space<hbm>> -> memref<100000x128xf32, #tpu.memory_space<hbm>>
    %dma_wait3A_1005 = tpu.memref_slice %arg8[%dma_wait3A_994] : memref<6x!tpu.dma_semaphore, #tpu.memory_space<semaphore_mem>> -> memref<1x!tpu.dma_semaphore, #tpu.memory_space<semaphore_mem>>
    %dma_wait3A_1006 = tpu.memref_squeeze %dma_wait3A_1005 : memref<1x!tpu.dma_semaphore, #tpu.memory_space<semaphore_mem>> -> memref<!tpu.dma_semaphore, #tpu.memory_space<semaphore_mem>>
    tpu.wait_indirect_dma semaphore(%dma_wait3A_1006 : memref<!tpu.dma_semaphore, #tpu.memory_space<semaphore_mem>>) src(%dma_wait3A_1004 : memref<100000x128xf32, #tpu.memory_space<hbm>>) dst(%dma_wait3A_998 : memref<128x128xf32, #tpu.memory_space<vmem>>)
    %add3A_1007 = arith.constant 896 : i32
    %add3A_1008 = arith.addi %mul3A_2, %add3A_1007 : i32
    %dma_start3A_1009 = arith.constant 1 : i32
    %dma_start3A_1010 = arith.constant 1 : i32
    %dma_start3A_1011 = arith.constant 0 : i32
    %dma_start3A_1012 = arith.constant 0 : i32
    %dma_start3A_1013 = tpu.memref_slice %arg7[%dma_start3A_1009, %dma_start3A_1011, %dma_start3A_1012] : memref<6x128x128xf32, #tpu.memory_space<vmem>> -> memref<1x128x128xf32, #tpu.memory_space<vmem>>
    %dma_start3A_1014 = tpu.memref_squeeze %dma_start3A_1013 : memref<1x128x128xf32, #tpu.memory_space<vmem>> -> memref<128x128xf32, #tpu.memory_space<vmem>>
    %dma_start3A_1015 = arith.constant 0 : i32
    %dma_start3A_1016 = tpu.memref_slice %arg4[%add3A_1008, %dma_start3A_1015] : memref<32768x128xf32, #tpu.memory_space<hbm>> -> memref<128x128xf32, #tpu.memory_space<hbm>>
    %dma_start3A_1017 = tpu.memref_slice %arg9[%dma_start3A_1010] : memref<6x!tpu.dma_semaphore, #tpu.memory_space<semaphore_mem>> -> memref<1x!tpu.dma_semaphore, #tpu.memory_space<semaphore_mem>>
    %dma_start3A_1018 = tpu.memref_squeeze %dma_start3A_1017 : memref<1x!tpu.dma_semaphore, #tpu.memory_space<semaphore_mem>> -> memref<!tpu.dma_semaphore, #tpu.memory_space<semaphore_mem>>
    %dma_start3A_1019 = arith.constant 0 : i32
    %dma_start3A_1020 = tpu.memref_slice %arg4[%add3A_1008, %dma_start3A_1019] : memref<32768x128xf32, #tpu.memory_space<hbm>> -> memref<128x128xf32, #tpu.memory_space<hbm>>
    %dma_start3A_1021 = arith.constant 0 : i32
    %dma_start3A_1022 = arith.constant 0 : i32
    %dma_start3A_1023 = tpu.memref_slice %arg7[%dma_start3A_1009, %dma_start3A_1021, %dma_start3A_1022] : memref<6x128x128xf32, #tpu.memory_space<vmem>> -> memref<1x128x128xf32, #tpu.memory_space<vmem>>
    %dma_start3A_1024 = tpu.memref_squeeze %dma_start3A_1023 : memref<1x128x128xf32, #tpu.memory_space<vmem>> -> memref<128x128xf32, #tpu.memory_space<vmem>>
    tpu.enqueue_dma source(%dma_start3A_1024 : memref<128x128xf32, #tpu.memory_space<vmem>>) target(%dma_start3A_1020 : memref<128x128xf32, #tpu.memory_space<hbm>>) target_semaphore(%dma_start3A_1018 : memref<!tpu.dma_semaphore, #tpu.memory_space<semaphore_mem>>)
    %add3A_1025 = arith.constant 256 : i32
    %add3A_1026 = arith.addi %mul3A_2, %add3A_1025 : i32
    %dma_wait3A_1027 = arith.constant 2 : i32
    %dma_wait3A_1028 = arith.constant 2 : i32
    %dma_wait3A_1029 = arith.constant 0 : i32
    %dma_wait3A_1030 = arith.constant 0 : i32
    %dma_wait3A_1031 = tpu.memref_slice %arg7[%dma_wait3A_1027, %dma_wait3A_1029, %dma_wait3A_1030] : memref<6x128x128xf32, #tpu.memory_space<vmem>> -> memref<1x128x128xf32, #tpu.memory_space<vmem>>
    %dma_wait3A_1032 = tpu.memref_squeeze %dma_wait3A_1031 : memref<1x128x128xf32, #tpu.memory_space<vmem>> -> memref<128x128xf32, #tpu.memory_space<vmem>>
    %dma_wait3A_1033 = arith.constant 0 : i32
    %dma_wait3A_1034 = tpu.memref_slice %arg4[%add3A_1026, %dma_wait3A_1033] : memref<32768x128xf32, #tpu.memory_space<hbm>> -> memref<128x128xf32, #tpu.memory_space<hbm>>
    %dma_wait3A_1035 = tpu.memref_slice %arg9[%dma_wait3A_1028] : memref<6x!tpu.dma_semaphore, #tpu.memory_space<semaphore_mem>> -> memref<1x!tpu.dma_semaphore, #tpu.memory_space<semaphore_mem>>
    %dma_wait3A_1036 = tpu.memref_squeeze %dma_wait3A_1035 : memref<1x!tpu.dma_semaphore, #tpu.memory_space<semaphore_mem>> -> memref<!tpu.dma_semaphore, #tpu.memory_space<semaphore_mem>>
    %dma_wait3A_1037 = arith.constant 0 : i32
    %dma_wait3A_1038 = tpu.memref_slice %arg4[%add3A_1026, %dma_wait3A_1037] : memref<32768x128xf32, #tpu.memory_space<hbm>> -> memref<128x128xf32, #tpu.memory_space<hbm>>
    %dma_wait3A_1039 = arith.constant 0 : i32
    %dma_wait3A_1040 = arith.constant 0 : i32
    %dma_wait3A_1041 = tpu.memref_slice %arg7[%dma_wait3A_1027, %dma_wait3A_1039, %dma_wait3A_1040] : memref<6x128x128xf32, #tpu.memory_space<vmem>> -> memref<1x128x128xf32, #tpu.memory_space<vmem>>
    %dma_wait3A_1042 = tpu.memref_squeeze %dma_wait3A_1041 : memref<1x128x128xf32, #tpu.memory_space<vmem>> -> memref<128x128xf32, #tpu.memory_space<vmem>>
    tpu.wait_dma2 semaphore(%dma_wait3A_1036 : memref<!tpu.dma_semaphore, #tpu.memory_space<semaphore_mem>>) src(%dma_wait3A_1042 : memref<128x128xf32, #tpu.memory_space<vmem>>) dst(%dma_wait3A_1038 : memref<128x128xf32, #tpu.memory_space<hbm>>)
    %add3A_1043 = arith.constant 384 : i32
    %add3A_1044 = arith.addi %mul3A_2, %add3A_1043 : i32
    %dma_wait3A_1045 = arith.constant 3 : i32
    %dma_wait3A_1046 = arith.constant 3 : i32
    %dma_wait3A_1047 = arith.constant 0 : i32
    %dma_wait3A_1048 = arith.constant 0 : i32
    %dma_wait3A_1049 = tpu.memref_slice %arg7[%dma_wait3A_1045, %dma_wait3A_1047, %dma_wait3A_1048] : memref<6x128x128xf32, #tpu.memory_space<vmem>> -> memref<1x128x128xf32, #tpu.memory_space<vmem>>
    %dma_wait3A_1050 = tpu.memref_squeeze %dma_wait3A_1049 : memref<1x128x128xf32, #tpu.memory_space<vmem>> -> memref<128x128xf32, #tpu.memory_space<vmem>>
    %dma_wait3A_1051 = arith.constant 0 : i32
    %dma_wait3A_1052 = tpu.memref_slice %arg4[%add3A_1044, %dma_wait3A_1051] : memref<32768x128xf32, #tpu.memory_space<hbm>> -> memref<128x128xf32, #tpu.memory_space<hbm>>
    %dma_wait3A_1053 = tpu.memref_slice %arg9[%dma_wait3A_1046] : memref<6x!tpu.dma_semaphore, #tpu.memory_space<semaphore_mem>> -> memref<1x!tpu.dma_semaphore, #tpu.memory_space<semaphore_mem>>
    %dma_wait3A_1054 = tpu.memref_squeeze %dma_wait3A_1053 : memref<1x!tpu.dma_semaphore, #tpu.memory_space<semaphore_mem>> -> memref<!tpu.dma_semaphore, #tpu.memory_space<semaphore_mem>>
    %dma_wait3A_1055 = arith.constant 0 : i32
    %dma_wait3A_1056 = tpu.memref_slice %arg4[%add3A_1044, %dma_wait3A_1055] : memref<32768x128xf32, #tpu.memory_space<hbm>> -> memref<128x128xf32, #tpu.memory_space<hbm>>
    %dma_wait3A_1057 = arith.constant 0 : i32
    %dma_wait3A_1058 = arith.constant 0 : i32
    %dma_wait3A_1059 = tpu.memref_slice %arg7[%dma_wait3A_1045, %dma_wait3A_1057, %dma_wait3A_1058] : memref<6x128x128xf32, #tpu.memory_space<vmem>> -> memref<1x128x128xf32, #tpu.memory_space<vmem>>
    %dma_wait3A_1060 = tpu.memref_squeeze %dma_wait3A_1059 : memref<1x128x128xf32, #tpu.memory_space<vmem>> -> memref<128x128xf32, #tpu.memory_space<vmem>>
    tpu.wait_dma2 semaphore(%dma_wait3A_1054 : memref<!tpu.dma_semaphore, #tpu.memory_space<semaphore_mem>>) src(%dma_wait3A_1060 : memref<128x128xf32, #tpu.memory_space<vmem>>) dst(%dma_wait3A_1056 : memref<128x128xf32, #tpu.memory_space<hbm>>)
    %add3A_1061 = arith.constant 512 : i32
    %add3A_1062 = arith.addi %mul3A_2, %add3A_1061 : i32
    %dma_wait3A_1063 = arith.constant 4 : i32
    %dma_wait3A_1064 = arith.constant 4 : i32
    %dma_wait3A_1065 = arith.constant 0 : i32
    %dma_wait3A_1066 = arith.constant 0 : i32
    %dma_wait3A_1067 = tpu.memref_slice %arg7[%dma_wait3A_1063, %dma_wait3A_1065, %dma_wait3A_1066] : memref<6x128x128xf32, #tpu.memory_space<vmem>> -> memref<1x128x128xf32, #tpu.memory_space<vmem>>
    %dma_wait3A_1068 = tpu.memref_squeeze %dma_wait3A_1067 : memref<1x128x128xf32, #tpu.memory_space<vmem>> -> memref<128x128xf32, #tpu.memory_space<vmem>>
    %dma_wait3A_1069 = arith.constant 0 : i32
    %dma_wait3A_1070 = tpu.memref_slice %arg4[%add3A_1062, %dma_wait3A_1069] : memref<32768x128xf32, #tpu.memory_space<hbm>> -> memref<128x128xf32, #tpu.memory_space<hbm>>
    %dma_wait3A_1071 = tpu.memref_slice %arg9[%dma_wait3A_1064] : memref<6x!tpu.dma_semaphore, #tpu.memory_space<semaphore_mem>> -> memref<1x!tpu.dma_semaphore, #tpu.memory_space<semaphore_mem>>
    %dma_wait3A_1072 = tpu.memref_squeeze %dma_wait3A_1071 : memref<1x!tpu.dma_semaphore, #tpu.memory_space<semaphore_mem>> -> memref<!tpu.dma_semaphore, #tpu.memory_space<semaphore_mem>>
    %dma_wait3A_1073 = arith.constant 0 : i32
    %dma_wait3A_1074 = tpu.memref_slice %arg4[%add3A_1062, %dma_wait3A_1073] : memref<32768x128xf32, #tpu.memory_space<hbm>> -> memref<128x128xf32, #tpu.memory_space<hbm>>
    %dma_wait3A_1075 = arith.constant 0 : i32
    %dma_wait3A_1076 = arith.constant 0 : i32
    %dma_wait3A_1077 = tpu.memref_slice %arg7[%dma_wait3A_1063, %dma_wait3A_1075, %dma_wait3A_1076] : memref<6x128x128xf32, #tpu.memory_space<vmem>> -> memref<1x128x128xf32, #tpu.memory_space<vmem>>
    %dma_wait3A_1078 = tpu.memref_squeeze %dma_wait3A_1077 : memref<1x128x128xf32, #tpu.memory_space<vmem>> -> memref<128x128xf32, #tpu.memory_space<vmem>>
    tpu.wait_dma2 semaphore(%dma_wait3A_1072 : memref<!tpu.dma_semaphore, #tpu.memory_space<semaphore_mem>>) src(%dma_wait3A_1078 : memref<128x128xf32, #tpu.memory_space<vmem>>) dst(%dma_wait3A_1074 : memref<128x128xf32, #tpu.memory_space<hbm>>)
    %add3A_1079 = arith.constant 640 : i32
    %add3A_1080 = arith.addi %mul3A_2, %add3A_1079 : i32
    %dma_wait3A_1081 = arith.constant 5 : i32
    %dma_wait3A_1082 = arith.constant 5 : i32
    %dma_wait3A_1083 = arith.constant 0 : i32
    %dma_wait3A_1084 = arith.constant 0 : i32
    %dma_wait3A_1085 = tpu.memref_slice %arg7[%dma_wait3A_1081, %dma_wait3A_1083, %dma_wait3A_1084] : memref<6x128x128xf32, #tpu.memory_space<vmem>> -> memref<1x128x128xf32, #tpu.memory_space<vmem>>
    %dma_wait3A_1086 = tpu.memref_squeeze %dma_wait3A_1085 : memref<1x128x128xf32, #tpu.memory_space<vmem>> -> memref<128x128xf32, #tpu.memory_space<vmem>>
    %dma_wait3A_1087 = arith.constant 0 : i32
    %dma_wait3A_1088 = tpu.memref_slice %arg4[%add3A_1080, %dma_wait3A_1087] : memref<32768x128xf32, #tpu.memory_space<hbm>> -> memref<128x128xf32, #tpu.memory_space<hbm>>
    %dma_wait3A_1089 = tpu.memref_slice %arg9[%dma_wait3A_1082] : memref<6x!tpu.dma_semaphore, #tpu.memory_space<semaphore_mem>> -> memref<1x!tpu.dma_semaphore, #tpu.memory_space<semaphore_mem>>
    %dma_wait3A_1090 = tpu.memref_squeeze %dma_wait3A_1089 : memref<1x!tpu.dma_semaphore, #tpu.memory_space<semaphore_mem>> -> memref<!tpu.dma_semaphore, #tpu.memory_space<semaphore_mem>>
    %dma_wait3A_1091 = arith.constant 0 : i32
    %dma_wait3A_1092 = tpu.memref_slice %arg4[%add3A_1080, %dma_wait3A_1091] : memref<32768x128xf32, #tpu.memory_space<hbm>> -> memref<128x128xf32, #tpu.memory_space<hbm>>
    %dma_wait3A_1093 = arith.constant 0 : i32
    %dma_wait3A_1094 = arith.constant 0 : i32
    %dma_wait3A_1095 = tpu.memref_slice %arg7[%dma_wait3A_1081, %dma_wait3A_1093, %dma_wait3A_1094] : memref<6x128x128xf32, #tpu.memory_space<vmem>> -> memref<1x128x128xf32, #tpu.memory_space<vmem>>
    %dma_wait3A_1096 = tpu.memref_squeeze %dma_wait3A_1095 : memref<1x128x128xf32, #tpu.memory_space<vmem>> -> memref<128x128xf32, #tpu.memory_space<vmem>>
    tpu.wait_dma2 semaphore(%dma_wait3A_1090 : memref<!tpu.dma_semaphore, #tpu.memory_space<semaphore_mem>>) src(%dma_wait3A_1096 : memref<128x128xf32, #tpu.memory_space<vmem>>) dst(%dma_wait3A_1092 : memref<128x128xf32, #tpu.memory_space<hbm>>)
    %add3A_1097 = arith.constant 768 : i32
    %add3A_1098 = arith.addi %mul3A_2, %add3A_1097 : i32
    %dma_wait3A_1099 = arith.constant 0 : i32
    %dma_wait3A_1100 = arith.constant 0 : i32
    %dma_wait3A_1101 = arith.constant 0 : i32
    %dma_wait3A_1102 = arith.constant 0 : i32
    %dma_wait3A_1103 = tpu.memref_slice %arg7[%dma_wait3A_1099, %dma_wait3A_1101, %dma_wait3A_1102] : memref<6x128x128xf32, #tpu.memory_space<vmem>> -> memref<1x128x128xf32, #tpu.memory_space<vmem>>
    %dma_wait3A_1104 = tpu.memref_squeeze %dma_wait3A_1103 : memref<1x128x128xf32, #tpu.memory_space<vmem>> -> memref<128x128xf32, #tpu.memory_space<vmem>>
    %dma_wait3A_1105 = arith.constant 0 : i32
    %dma_wait3A_1106 = tpu.memref_slice %arg4[%add3A_1098, %dma_wait3A_1105] : memref<32768x128xf32, #tpu.memory_space<hbm>> -> memref<128x128xf32, #tpu.memory_space<hbm>>
    %dma_wait3A_1107 = tpu.memref_slice %arg9[%dma_wait3A_1100] : memref<6x!tpu.dma_semaphore, #tpu.memory_space<semaphore_mem>> -> memref<1x!tpu.dma_semaphore, #tpu.memory_space<semaphore_mem>>
    %dma_wait3A_1108 = tpu.memref_squeeze %dma_wait3A_1107 : memref<1x!tpu.dma_semaphore, #tpu.memory_space<semaphore_mem>> -> memref<!tpu.dma_semaphore, #tpu.memory_space<semaphore_mem>>
    %dma_wait3A_1109 = arith.constant 0 : i32
    %dma_wait3A_1110 = tpu.memref_slice %arg4[%add3A_1098, %dma_wait3A_1109] : memref<32768x128xf32, #tpu.memory_space<hbm>> -> memref<128x128xf32, #tpu.memory_space<hbm>>
    %dma_wait3A_1111 = arith.constant 0 : i32
    %dma_wait3A_1112 = arith.constant 0 : i32
    %dma_wait3A_1113 = tpu.memref_slice %arg7[%dma_wait3A_1099, %dma_wait3A_1111, %dma_wait3A_1112] : memref<6x128x128xf32, #tpu.memory_space<vmem>> -> memref<1x128x128xf32, #tpu.memory_space<vmem>>
    %dma_wait3A_1114 = tpu.memref_squeeze %dma_wait3A_1113 : memref<1x128x128xf32, #tpu.memory_space<vmem>> -> memref<128x128xf32, #tpu.memory_space<vmem>>
    tpu.wait_dma2 semaphore(%dma_wait3A_1108 : memref<!tpu.dma_semaphore, #tpu.memory_space<semaphore_mem>>) src(%dma_wait3A_1114 : memref<128x128xf32, #tpu.memory_space<vmem>>) dst(%dma_wait3A_1110 : memref<128x128xf32, #tpu.memory_space<hbm>>)
    %add3A_1115 = arith.constant 896 : i32
    %add3A_1116 = arith.addi %mul3A_2, %add3A_1115 : i32
    %dma_wait3A_1117 = arith.constant 1 : i32
    %dma_wait3A_1118 = arith.constant 1 : i32
    %dma_wait3A_1119 = arith.constant 0 : i32
    %dma_wait3A_1120 = arith.constant 0 : i32
    %dma_wait3A_1121 = tpu.memref_slice %arg7[%dma_wait3A_1117, %dma_wait3A_1119, %dma_wait3A_1120] : memref<6x128x128xf32, #tpu.memory_space<vmem>> -> memref<1x128x128xf32, #tpu.memory_space<vmem>>
    %dma_wait3A_1122 = tpu.memref_squeeze %dma_wait3A_1121 : memref<1x128x128xf32, #tpu.memory_space<vmem>> -> memref<128x128xf32, #tpu.memory_space<vmem>>
    %dma_wait3A_1123 = arith.constant 0 : i32
    %dma_wait3A_1124 = tpu.memref_slice %arg4[%add3A_1116, %dma_wait3A_1123] : memref<32768x128xf32, #tpu.memory_space<hbm>> -> memref<128x128xf32, #tpu.memory_space<hbm>>
    %dma_wait3A_1125 = tpu.memref_slice %arg9[%dma_wait3A_1118] : memref<6x!tpu.dma_semaphore, #tpu.memory_space<semaphore_mem>> -> memref<1x!tpu.dma_semaphore, #tpu.memory_space<semaphore_mem>>
    %dma_wait3A_1126 = tpu.memref_squeeze %dma_wait3A_1125 : memref<1x!tpu.dma_semaphore, #tpu.memory_space<semaphore_mem>> -> memref<!tpu.dma_semaphore, #tpu.memory_space<semaphore_mem>>
    %dma_wait3A_1127 = arith.constant 0 : i32
    %dma_wait3A_1128 = tpu.memref_slice %arg4[%add3A_1116, %dma_wait3A_1127] : memref<32768x128xf32, #tpu.memory_space<hbm>> -> memref<128x128xf32, #tpu.memory_space<hbm>>
    %dma_wait3A_1129 = arith.constant 0 : i32
    %dma_wait3A_1130 = arith.constant 0 : i32
    %dma_wait3A_1131 = tpu.memref_slice %arg7[%dma_wait3A_1117, %dma_wait3A_1129, %dma_wait3A_1130] : memref<6x128x128xf32, #tpu.memory_space<vmem>> -> memref<1x128x128xf32, #tpu.memory_space<vmem>>
    %dma_wait3A_1132 = tpu.memref_squeeze %dma_wait3A_1131 : memref<1x128x128xf32, #tpu.memory_space<vmem>> -> memref<128x128xf32, #tpu.memory_space<vmem>>
    tpu.wait_dma2 semaphore(%dma_wait3A_1126 : memref<!tpu.dma_semaphore, #tpu.memory_space<semaphore_mem>>) src(%dma_wait3A_1132 : memref<128x128xf32, #tpu.memory_space<vmem>>) dst(%dma_wait3A_1128 : memref<128x128xf32, #tpu.memory_space<hbm>>)
    return
  }
}

</mosaic_0001>

<sc_bundles>
// kernel: _embed_sc.3.cloned.1.call-start
scs
__scs_entry_jumppad:
0x0: {  	(pc) =	sbr.rel $0x88, $3  }
0x1: {  	(tag) =	ssettag $0x0;
	lr =	simm.s32 $0x1  }
0x2: {  	[smem:$0x3F9F] =	sst lr;
	_ =	strace $0xD0000000  }
0x3: {  	_ = 	snop  }
0x4: {  	_ = 	snop  }
0x5: {  	_ = 	snop  }
0x6: {  	_ = 	snop  }
0x7: {  	_ = 	snop  }
__scs_overlays_trampoline_lowered:
0x8: {  	[smem:$0x3FAE] =	sst s0  }
0x9: {  	[smem:$0x3FAF] =	sst s1  }
0xa: {  	[smem:$0x3FB0] =	sst s2  }
0xb: {  	[smem:$0x3FB1] =	sst s3  }
0xc: {  	[smem:$0x3FB2] =	sst s4  }
0xd: {  	[smem:$0x3FB3] =	sst s5  }
0xe: {  	[smem:$0x3FB4] =	sst s6  }
0xf: {  	[smem:$0x3FB5] =	sst s7  }
0x10: {  	[smem:$0x3FB6] =	sst s8  }
0x11: {  	[smem:$0x3FB7] =	sst s9;
	s0 =	simm.s32 @!p0 $0x0  }
0x12: {  	s1 =	sld [smem:$0x3F9D];
	s0 =	simm.s32 @p0 $0x1  }
0x13: {  	[smem:$0x3FB8] =	sst s0;
	s0 =	simm.s32 @!p1 $0x0  }
0x14: {  	s2 =	sld [smem:$0x3F9C];
	s0 =	simm.s32 @p1 $0x1  }
0x15: {  	[smem:$0x3FB9] =	sst s0;
	s0 =	simm.s32 @!p2 $0x0  }
0x16: {  	s3 =	sld [smem:$0x3FDB];
	s0 =	simm.s32 @p2 $0x1  }
0x17: {  	s4 =	simm.s32 $0x1BF5;
	[smem:$0x3FBB] =	sst s0  }
0x18: {  	s0 =	sld [smem:$0x3F9E];
	_ =	swait.ge [sflag:s4], $0x0  }
0x19: {  	s7 =	sld [smem:$0x3F9F]  }
0x1a: {  	s8 =	sadd.s32 $0xFFFFE003, lr  }
0x1b: {  	s9 =	sadd.s32 $0xFFFFFEF7, lr;
	s5 =	simm.s32 $0xFFFFFFFF;
	p2 =	slt.u32 s8, $0xFFFFF086  }
0x1c: {  	p1 =	slt.u32 s9, $0xF7A;
	s5 =	simm.s32 @!p2 $0x0  }
0x1d: {  	s5 =	simm.s32 @p1 $0x1;
	p0 =	seq.s32 s7, s2  }
0x1e: {  	s7 =	smul.u32 @!p0 $0xF7A, s2;
	p2 =	seq.s32 @!p0 s5, $0x0  }
0x1f: {  	s9 =	smul.u32 $0xF7A, s1;
	s8 =	simm.s32 @!p0 $0x1BF5;
	p2 =	por !p2, p0  }
0x20: {  	[sflag:s8] =	ssyncset.s32 @!p0 $0xFFFFF086;
	s6 =	sadd.s32 @!p0 s3, s7;
	s7 =	simm.s32 @!p0 $0x108  }
0x21: {  	s3 =	sadd.s32 s3, s9;
	s6 =	sadd.s32 @!p0 $0x88, s6;
	s7 =	simm.s32 @p2 $0x1082  }
0x22: {  	[simem:s7], [sflag:s8] =	dma.local @!p0 [hbm:s6], $0xF7A  }
0x23: {  	s9 =	sor.u32 $0xD0000000, s2;
	s6 =	simm.s32 $0x108;
	_ =	swait.ge @!p0 [sflag:s8], $0x0  }
0x24: {  	s3 =	sadd.s32 $0x88, s3;
	s6 =	simm.s32 @!p1 $0x1082;
	[sflag:s4] =	ssyncset.s32 $0xFFFFF086  }
0x25: {  	[simem:s6], [sflag:s4] =	dma.local [hbm:s3], $0xF7A  }
0x26: {  	[smem:$0x3F9F] =	sst s1;
	(tag) =	ssettag s2;
	_ =	strace s9  }
0x27: {  	s1 =	sld [smem:$0x3FAF]  }
0x28: {  	s2 =	sld [smem:$0x3FB0]  }
0x29: {  	s4 =	sld [smem:$0x3FB2]  }
0x2a: {  	p0 =	seq.s32 s5, $0x0;
	s5 =	sld [smem:$0x3FB3]  }
0x2b: {  	s6 =	sld [smem:$0x3FB4]  }
0x2c: {  	s7 =	sld [smem:$0x3FB5]  }
0x2d: {  	s3 =	simm.s32 $0x108;
	s8 =	sld [smem:$0x3FB6]  }
0x2e: {  	s3 =	simm.s32 @!p0 $0x1082;
	s9 =	sld [smem:$0x3FB7]  }
0x2f: {  	lr =	sadd.s32 s0, s3;
	s0 =	sld [smem:$0x3FAE]  }
0x30: {  	s3 =	sld [smem:$0x3FB1]  }
0x31: {  	[smem:$0x3FBA] =	sst s10  }
0x32: {  	s10 =	sld [smem:$0x3FB8];
	_ =	sdelay $0x3  }
0x33: {  	p0 =	seq.s32 s10, $0x1;
	s10 =	sld [smem:$0x3FBA];
	_ =	sdelay $0x3  }
0x34: {  	[smem:$0x3FBA] =	sst s10  }
0x35: {  	s10 =	sld [smem:$0x3FB9];
	_ =	sdelay $0x3  }
0x36: {  	p1 =	seq.s32 s10, $0x1;
	s10 =	sld [smem:$0x3FBA];
	_ =	sdelay $0x3  }
0x37: {  	[smem:$0x3FBA] =	sst s10  }
0x38: {  	s10 =	sld [smem:$0x3FBB]  }
0x39: {  	_ = 	snop;
	(pc) =	sbr.ind lr, $3  }
0x3a: {  	_ = 	snop  }
0x3b: {  	_ = 	snop  }
0x3c: {  	p2 =	seq.s32 s10, $0x1;
	s10 =	sld [smem:$0x3FBA]  }
0x3d: {  	_ =	shalt  }
0x3e: {  	_ =	shalt  }
0x3f: {  	_ =	shalt  }
0x40: {  	_ =	shalt  }
0x41: {  	_ =	shalt  }
0x42: {  	_ =	shalt  }
0x43: {  	_ =	shalt  }
0x44: {  	_ =	shalt  }
0x45: {  	_ =	shalt  }
0x46: {  	_ =	shalt  }
0x47: {  	_ =	shalt  }
0x48: {  	_ =	shalt  }
0x49: {  	_ =	shalt  }
0x4a: {  	_ =	shalt  }
0x4b: {  	_ =	shalt  }
0x4c: {  	_ =	shalt  }
0x4d: {  	_ =	shalt  }
0x4e: {  	_ =	shalt  }
0x4f: {  	_ =	shalt  }
0x50: {  	_ =	shalt  }
0x51: {  	_ =	shalt  }
0x52: {  	_ =	shalt  }
0x53: {  	_ =	shalt  }
0x54: {  	_ =	shalt  }
0x55: {  	_ =	shalt  }
0x56: {  	_ =	shalt  }
0x57: {  	_ =	shalt  }
0x58: {  	_ =	shalt  }
0x59: {  	_ =	shalt  }
0x5a: {  	_ =	shalt  }
0x5b: {  	_ =	shalt  }
0x5c: {  	_ =	shalt  }
0x5d: {  	_ =	shalt  }
0x5e: {  	_ =	shalt  }
0x5f: {  	_ =	shalt  }
0x60: {  	_ =	shalt  }
0x61: {  	_ =	shalt  }
0x62: {  	_ =	shalt  }
0x63: {  	_ =	shalt  }
0x64: {  	_ =	shalt  }
0x65: {  	_ =	shalt  }
0x66: {  	_ =	shalt  }
0x67: {  	_ =	shalt  }
0x68: {  	_ =	shalt  }
0x69: {  	_ =	shalt  }
0x6a: {  	_ =	shalt  }
0x6b: {  	_ =	shalt  }
0x6c: {  	_ =	shalt  }
0x6d: {  	_ =	shalt  }
0x6e: {  	_ =	shalt  }
0x6f: {  	_ =	shalt  }
0x70: {  	_ =	shalt  }
0x71: {  	_ =	shalt  }
0x72: {  	_ =	shalt  }
0x73: {  	_ =	shalt  }
0x74: {  	_ =	shalt  }
0x75: {  	_ =	shalt  }
0x76: {  	_ =	shalt  }
0x77: {  	_ =	shalt  }
0x78: {  	_ =	shalt  }
0x79: {  	_ =	shalt  }
0x7a: {  	_ =	shalt  }
0x7b: {  	_ =	shalt  }
0x7c: {  	_ =	shalt  }
0x7d: {  	_ =	shalt  }
0x7e: {  	_ =	shalt  }
0x7f: {  	_ =	shalt  }
0x80: {  	_ =	shalt  }
0x81: {  	_ =	shalt  }
0x82: {  	_ =	shalt  }
0x83: {  	_ =	shalt  }
0x84: {  	_ =	shalt  }
0x85: {  	_ =	shalt  }
0x86: {  	_ =	shalt  }
0x87: {  	_ =	shalt  }
.Lfunc_end0:
.L_simem_size_0:
called_computation_lowered:
.L_overlay_start_0:
0x88: {  	s2 =	sld [smem:$0x3FD9]  }
0x89: {  	s3 =	sld [smem:$0x3FFE];
	_ =	sdelay $0x1  }
0x8a: {  	s1 =	srdreg.scid  }
0x8b: {  	s0 =	sand.u32 $0x1, s1  }
0x8c: {  	s18 =	sshll.u32 s0, $0xA;
	s2 =	sadd.s32 s3, s2  }
0x8d: {  	s2 =	sadd.s32 s2, s18  }
0x8e: {  	[smem:$0x3FC6] =	sst s2  }
0x8f: {  	_ = 	snop  }
0x90: {  	s2 =	sld [smem:$0x3FC9]  }
0x91: {  	s19 =	sld [smem:$0x3FC8]  }
0x92: {  	s4 =	sld [smem:$0x3FD0];
	(tm) =	ssettm $0x1  }
0x93: {  	s5 =	sld [smem:$0x3FFB];
	_ =	sdelay $0x3  }
0x94: {  	_ =	strace s5  }
0x95: {  	s5 =	sld [smem:$0x3FFC];
	_ =	sdelay $0x3  }
0x96: {  	_ =	strace s5  }
0x97: {  	s5 =	sld [smem:$0x3FFD];
	_ =	sdelay $0x3  }
0x98: {  	_ =	strace s5  }
0x99: {  	_ =	strace $0x8FFFFFFF  }
0x9a: {  	s20 =	sld [smem:$0x3FDB];
	_ =	sdelay $0x1  }
0x9b: {  	s6 =	simm.s32 $_scs_section_size  }
0x9c: {  	s7 =	simm.s32 $_size__tile_overlayer_lowered;
	s8 =	simm.s32 $_tile_overlayer_lowered  }
0x9d: {  	s23 =	simm.s32 $0x1BFF;
	s22 =	sshll.u32 s8, $0x1;
	s5 =	sadd.s32 s6, s20  }
0x9e: {  	s9 =	simm.s32 $0x0;
	s21 =	sshll.u32 s7, $0x1;
	s7 =	sadd.s32 s22, s5  }
0x9f: {  	[timem:s9], [sflag:s23] =	dma.local [hbm:s7], s21  }
0xa0: {  	_ =	swait.ge [sflag:s23], s21  }
0xa1: {  	s6 =	ssub.s32 $0x0, s21;
	[sflag:s23] =	ssyncset.done $0x0  }
0xa2: {  	[sflag:s23] =	ssyncadd.s32 s6;
	_ =	sdelay $0x1  }
0xa3: {  	s24 =	simm.s32 $0x1B8B  }
0xa4: {  	_ =	swait.ge [sflag:s24], $0x1  }
0xa5: {  	[sflag:s24] =	ssyncset.done $0x0  }
0xa6: {  	s25 =	simm.s32 $0x1B8E;
	[sflag:s24] =	ssyncadd.s32 $0xFFFFFFFF  }
0xa7: {  	s26 =	simm.s32 $execute0_lowered;
	[smem:$0x3FD2] =	sst s25  }
0xa8: {  	s6 =	sshll.u32 s26, $0x1;
	_ =	strace $0x80000046;
	[dreg:$0x1] =	wrdreg $0xFFFFFFFF  }
0xa9: {  	s28 =	simm.s32 $_size_execute0_lowered;
	s5 =	sadd.s32 s5, s6;
	[dreg:$0x0] =	wrdreg $0x0  }
0xaa: {  	s6 =	sshll.u32 s28, $0x1;
	[dreg:$0x2] =	wrdreg s5  }
0xab: {  	[dreg:$0x3] =	wrdreg s6  }
0xac: {  	[dreg:$0x4] =	wrdreg $0xC0  }
0xad: {  	_ =	task [dreg:s9], $0x5FFFF  }
0xae: {  	[dreg:$0x1] =	wrdreg $0xFFFFFFFF  }
0xaf: {  	[dreg:$0x0] =	wrdreg $0x60  }
0xb0: {  	[dreg:$0x2] =	wrdreg s2  }
0xb1: {  	[dreg:$0x3] =	wrdreg s19  }
0xb2: {  	[dreg:$0x4] =	wrdreg s4  }
0xb3: {  	[dreg:$0x5] =	wrdreg $0x9  }
0xb4: {  	_ =	task.clear_ibuf [dreg:s9], $0x6FFFF;
	_ =	strace $0x90000046  }
0xb5: {  	s29 =	simm.s32 $0x9;
	_ =	strace $0x80000048  }
0xb6: {  	_ =	swait.ge [sflag:s29], $0x1  }
0xb7: {  	[sflag:s29] =	ssyncadd.s32 $0xFFFFFFFF  }
0xb8: {  	_ =	strace $0x90000048  }
0xb9: {  	_ =	sfence  }
0xba: {  	s30 =	sld [smem:$0x0];
	_ =	sdelay $0x2  }
0xbb: {  	s31 =	sshll.u32 s1, $0xD;
	s1 =	sshrl.u32 s1, $0x2  }
0xbc: {  	s3 =	sand.u32 $0x4000, s31;
	s1 =	sadd.s32 s1, s30  }
0xbd: {  	s0 =	sor.u32 s3, s0;
	s1 =	sshll.u32 s1, $0x11  }
0xbe: {  	s0 =	sor.u32 s1, s0  }
0xbf: {  	s0 =	sadd.s32 $0x8F2B, s0  }
0xc0: {  	[sflag:s0] =	ssyncadd.remote.s32 $0x1  }
0xc1: {  	_ =	sfence.sel $0xFFFF  }
0xc2: {  	[dreg:$0x0] =	wrdreg $0xFFFFFFFF;
	(pc) =	sbr.abs _section_cstart, $3  }
0xc3: {  	[dreg:$0x1] =	wrdreg $0xFFFFFFFF  }
0xc4: {  	_ =	task.clear_ibuf [dreg:s9], $0x2FFFF;
	_ =	strace $0x9FFFFFFF  }
0xc5: {  	(tm) =	ssettm $0x7FFFFFFF  }
tec
execute0_lowered:
.L_overlay_start_1:
0x0: {  	(tag) =	ssettag $0x1  }
0x1: {  	s1 =	srdreg.scid;
	s4 =	rddreg [dreg:$0x0]  }
0x2: {  	s0 =	stileid.u32;
	s7 =	rddreg [dreg:$0x2]  }
0x3: {  	s24 =	simm.s32 $0x200;
	s25 =	simm.s32 $0x400;
	s8 =	simm.s32 $0x800  }
0x4: {  	s26 =	simm.s32 $0x480;
	s9 =	simm.s32 $0x4800;
	s11 =	simm.s32 $0x8800  }
0x5: {  	s12 =	simm.s32 $0x580;
	s13 =	simm.s32 $0xC800;
	s14 =	simm.s32 $0x600  }
0x6: {  	s15 =	simm.s32 $0x10800;
	s16 =	simm.s32 $0x680;
	s1 =	sand.u32 $0x1, s1  }
0x7: {  	s28 =	simm.s32 $0x6;
	s2 =	sshll.u32 s0, $0xB;
	s3 =	sshll.u32 s1, $0xA  }
0x8: {  	s29 =	simm.s32 $0x9;
	s30 =	simm.s32 $0xA;
	s5 =	sor.u32 s3, s2  }
0x9: {  	s6 =	sshll.u32 s0, $0x5;
	s1 =	ssub.s32 $0x2, s1;
	s3 =	sshll.u32 s5, $0x2  }
0xa: {  	s2 =	rddreg [dreg:$0x1];
	s6 =	sor.u32 s6, s3;
	s3 =	simm.s32 $0x0  }
0xb: {  	s31 =	simm.s32 $0xB;
	s22 =	sshrl.u32 s1, $0x1;
	[smem:$0x7FF] =	sst s3  }
0xc: {  	s6 =	sand.u32 $0x7180, s6;
	_ =	strace $0x80000047;
	[dreg:$0xc] =	wrdreg s24  }
0xd: {  	s5 =	sshll.u32 s5, $0x4;
	s6 =	sshrl.u32 s6, $0x3;
	[dreg:$0xd] =	wrdreg s25  }
0xe: {  	[dreg:$0xe] =	wrdreg s26;
	s6 =	sadd.s32 s4, s6;
	s4 =	sadd.s32 s7, s5  }
0xf: {  	s1 =	ssub.s32 s1, s22;
	[dreg:$0x4] =	wrdreg s6;
	s5 =	sadd.s32 $0x800, s4  }
0x10: {  	s22 =	simm.s32 $0x8;
	s17 =	sadd.s32 $0x1000, s4;
	[dreg:$0x5] =	wrdreg s5  }
0x11: {  	s24 =	simm.s32 $0x3;
	s18 =	sadd.s32 $0x1800, s4;
	[dreg:$0x6] =	wrdreg s17  }
0x12: {  	s25 =	simm.s32 $0x4;
	s19 =	sadd.s32 $0x2000, s4;
	[dreg:$0x7] =	wrdreg s18  }
0x13: {  	s26 =	simm.s32 $0x5;
	s20 =	sadd.s32 $0x2800, s4;
	[dreg:$0x8] =	wrdreg s19  }
0x14: {  	s7 =	simm.s32 $0xD;
	s21 =	sadd.s32 $0x3000, s4;
	[dreg:$0x9] =	wrdreg s20  }
0x15: {  	s23 =	sadd.s32 $0x3800, s4;
	s6 =	simm.s32 $0x80;
	[dreg:$0xa] =	wrdreg s21  }
0x16: {  	[dreg:$0xb] =	wrdreg s23;
	s5 =	smax.u32 s1, $0x1;
	s17 =	simm.s32 $0x14800  }
0x17: {  	s18 =	simm.s32 $0x1;
	s19 =	simm.s32 $0x7;
	s20 =	simm.s32 $0x700  }
0x18: {  	s21 =	simm.s32 $0x2;
	s23 =	simm.s32 $0x780;
	s1 =	simm.s32 $0xC  }
.LBB2_1:
0x19: {  	s0 =	rddreg [dreg:$0x4]  }
0x1a: {  	s10 =	rddreg [dreg:$0xc]  }
0x1b: {  	[tilespmem:s3], [sflag:$0xD] =	stream.strided.gather [hbm4b:s0+s6], $0x400, s10, s6, $0x38;
	[tilespmem:$0x18800] =	vst v63  }
0x1c: {  	_ =	swait.ge [sflag:s7], $0x400  }
0x1d: {  	[sflag:s7] =	ssyncset.done $0x0  }
0x1e: {  	[sflag:s7] =	ssyncadd.s32 $0xFFFFFC00  }
0x1f: {  	v0 =	vld [tilespmem:$0x0]  }
0x20: {  	v1 =	vld [tilespmem:$0x10]  }
0x21: {  	v2 =	vld [tilespmem:$0x20]  }
0x22: {  	v3 =	vld [tilespmem:$0x30]  }
0x23: {  	v4 =	vld [tilespmem:$0x40]  }
0x24: {  	v5 =	vld [tilespmem:$0x50];
	[tilespmem:$0x400] =	vst v0  }
0x25: {  	v6 =	vld [tilespmem:$0x60];
	[tilespmem:$0x410] =	vst v1  }
0x26: {  	v7 =	vld [tilespmem:$0x70];
	[tilespmem:$0x420] =	vst v2  }
0x27: {  	[tilespmem:$0x430] =	vst v3  }
0x28: {  	[tilespmem:$0x440] =	vst v4  }
0x29: {  	[tilespmem:$0x450] =	vst v5  }
0x2a: {  	[tilespmem:$0x460] =	vst v6  }
0x2b: {  	s10 =	rddreg [dreg:$0xd];
	[tilespmem:$0x470] =	vst v7  }
0x2c: {  	[tilespmem:s8], [sflag:$0x1] =	stream.indirect.gather [hbm4b:s2+s6], $0x80, s10, s6, $0xb8;
	[tilespmem:$0x18800] =	vst v63  }
0x2d: {  	v8 =	vld [tilespmem:$0x80]  }
0x2e: {  	v9 =	vld [tilespmem:$0x90]  }
0x2f: {  	v10 =	vld [tilespmem:$0xA0]  }
0x30: {  	v11 =	vld [tilespmem:$0xB0]  }
0x31: {  	v12 =	vld [tilespmem:$0xC0]  }
0x32: {  	v13 =	vld [tilespmem:$0xD0];
	[tilespmem:$0x480] =	vst v8  }
0x33: {  	v14 =	vld [tilespmem:$0xE0];
	[tilespmem:$0x490] =	vst v9  }
0x34: {  	v15 =	vld [tilespmem:$0xF0];
	[tilespmem:$0x4A0] =	vst v10  }
0x35: {  	[tilespmem:$0x4B0] =	vst v11  }
0x36: {  	[tilespmem:$0x4C0] =	vst v12  }
0x37: {  	[tilespmem:$0x4D0] =	vst v13  }
0x38: {  	[tilespmem:$0x4E0] =	vst v14  }
0x39: {  	s10 =	rddreg [dreg:$0xe];
	[tilespmem:$0x4F0] =	vst v15  }
0x3a: {  	[tilespmem:s9], [sflag:$0x2] =	stream.indirect.gather [hbm4b:s2+s6], $0x80, s10, s6, $0xb8;
	[tilespmem:$0x18800] =	vst v63  }
0x3b: {  	v16 =	vld [tilespmem:$0x100]  }
0x3c: {  	v17 =	vld [tilespmem:$0x110]  }
0x3d: {  	v18 =	vld [tilespmem:$0x120]  }
0x3e: {  	v19 =	vld [tilespmem:$0x130]  }
0x3f: {  	v20 =	vld [tilespmem:$0x140]  }
0x40: {  	v21 =	vld [tilespmem:$0x150];
	[tilespmem:$0x500] =	vst v16  }
0x41: {  	v22 =	vld [tilespmem:$0x160];
	[tilespmem:$0x510] =	vst v17  }
0x42: {  	v23 =	vld [tilespmem:$0x170];
	[tilespmem:$0x520] =	vst v18  }
0x43: {  	[tilespmem:$0x530] =	vst v19  }
0x44: {  	[tilespmem:$0x540] =	vst v20  }
0x45: {  	[tilespmem:$0x550] =	vst v21  }
0x46: {  	[tilespmem:$0x560] =	vst v22  }
0x47: {  	s10 =	simm.s32 $0x500;
	[tilespmem:$0x570] =	vst v23  }
0x48: {  	[tilespmem:s11], [sflag:$0x3] =	stream.indirect.gather [hbm4b:s2+s6], $0x80, s10, s6, $0xb8;
	[tilespmem:$0x18800] =	vst v63  }
0x49: {  	v24 =	vld [tilespmem:$0x180]  }
0x4a: {  	v25 =	vld [tilespmem:$0x190]  }
0x4b: {  	v26 =	vld [tilespmem:$0x1A0]  }
0x4c: {  	v27 =	vld [tilespmem:$0x1B0]  }
0x4d: {  	v28 =	vld [tilespmem:$0x1C0]  }
0x4e: {  	v29 =	vld [tilespmem:$0x1D0];
	[tilespmem:$0x580] =	vst v24  }
0x4f: {  	v30 =	vld [tilespmem:$0x1E0];
	[tilespmem:$0x590] =	vst v25  }
0x50: {  	v31 =	vld [tilespmem:$0x1F0];
	[tilespmem:$0x5A0] =	vst v26  }
0x51: {  	[tilespmem:$0x5B0] =	vst v27  }
0x52: {  	[tilespmem:$0x5C0] =	vst v28  }
0x53: {  	[tilespmem:$0x5D0] =	vst v29  }
0x54: {  	[tilespmem:$0x5E0] =	vst v30  }
0x55: {  	[tilespmem:$0x5F0] =	vst v31  }
0x56: {  	[tilespmem:s13], [sflag:$0x4] =	stream.indirect.gather [hbm4b:s2+s6], $0x80, s12, s6, $0xb8;
	[tilespmem:$0x18800] =	vst v63  }
0x57: {  	v32 =	vld [tilespmem:$0x200]  }
0x58: {  	v33 =	vld [tilespmem:$0x210]  }
0x59: {  	v34 =	vld [tilespmem:$0x220]  }
0x5a: {  	v35 =	vld [tilespmem:$0x230]  }
0x5b: {  	v36 =	vld [tilespmem:$0x240]  }
0x5c: {  	v37 =	vld [tilespmem:$0x250];
	[tilespmem:$0x600] =	vst v32  }
0x5d: {  	v38 =	vld [tilespmem:$0x260];
	[tilespmem:$0x610] =	vst v33  }
0x5e: {  	v39 =	vld [tilespmem:$0x270];
	[tilespmem:$0x620] =	vst v34  }
0x5f: {  	[tilespmem:$0x630] =	vst v35  }
0x60: {  	[tilespmem:$0x640] =	vst v36  }
0x61: {  	[tilespmem:$0x650] =	vst v37  }
0x62: {  	[tilespmem:$0x660] =	vst v38  }
0x63: {  	[tilespmem:$0x670] =	vst v39  }
0x64: {  	[tilespmem:s15], [sflag:$0x5] =	stream.indirect.gather [hbm4b:s2+s6], $0x80, s14, s6, $0xb8;
	[tilespmem:$0x18800] =	vst v63  }
0x65: {  	v40 =	vld [tilespmem:$0x280]  }
0x66: {  	v41 =	vld [tilespmem:$0x290]  }
0x67: {  	v42 =	vld [tilespmem:$0x2A0]  }
0x68: {  	v43 =	vld [tilespmem:$0x2B0]  }
0x69: {  	v44 =	vld [tilespmem:$0x2C0]  }
0x6a: {  	v45 =	vld [tilespmem:$0x2D0];
	[tilespmem:$0x680] =	vst v40  }
0x6b: {  	v46 =	vld [tilespmem:$0x2E0];
	[tilespmem:$0x690] =	vst v41  }
0x6c: {  	v47 =	vld [tilespmem:$0x2F0];
	[tilespmem:$0x6A0] =	vst v42  }
0x6d: {  	[tilespmem:$0x6B0] =	vst v43  }
0x6e: {  	[tilespmem:$0x6C0] =	vst v44  }
0x6f: {  	[tilespmem:$0x6D0] =	vst v45  }
0x70: {  	[tilespmem:$0x6E0] =	vst v46  }
0x71: {  	[tilespmem:$0x6F0] =	vst v47  }
0x72: {  	[tilespmem:s17], [sflag:$0x6] =	stream.indirect.gather [hbm4b:s2+s6], $0x80, s16, s6, $0xb8;
	[tilespmem:$0x18800] =	vst v63  }
0x73: {  	v48 =	vld [tilespmem:$0x300]  }
0x74: {  	v49 =	vld [tilespmem:$0x310]  }
0x75: {  	v50 =	vld [tilespmem:$0x320]  }
0x76: {  	v51 =	vld [tilespmem:$0x330]  }
0x77: {  	v52 =	vld [tilespmem:$0x340]  }
0x78: {  	v53 =	vld [tilespmem:$0x350];
	[tilespmem:$0x700] =	vst v48  }
0x79: {  	v54 =	vld [tilespmem:$0x360];
	[tilespmem:$0x710] =	vst v49  }
0x7a: {  	v55 =	vld [tilespmem:$0x370];
	[tilespmem:$0x720] =	vst v50  }
0x7b: {  	v56 =	vld [tilespmem:$0x380];
	[tilespmem:$0x730] =	vst v51  }
0x7c: {  	v57 =	vld [tilespmem:$0x390];
	[tilespmem:$0x740] =	vst v52  }
0x7d: {  	v58 =	vld [tilespmem:$0x3A0];
	[tilespmem:$0x750] =	vst v53  }
0x7e: {  	v59 =	vld [tilespmem:$0x3B0];
	[tilespmem:$0x760] =	vst v54  }
0x7f: {  	v60 =	vld [tilespmem:$0x3C0];
	[tilespmem:$0x770] =	vst v55  }
0x80: {  	v61 =	vld [tilespmem:$0x3D0];
	[tilespmem:$0x780] =	vst v56  }
0x81: {  	v62 =	vld [tilespmem:$0x3E0];
	[tilespmem:$0x790] =	vst v57  }
0x82: {  	v63 =	vld [tilespmem:$0x3F0];
	[tilespmem:$0x7A0] =	vst v58  }
0x83: {  	[tilespmem:$0x7B0] =	vst v59  }
0x84: {  	[tilespmem:$0x7C0] =	vst v60  }
0x85: {  	[tilespmem:$0x7D0] =	vst v61  }
0x86: {  	[tilespmem:$0x7E0] =	vst v62  }
0x87: {  	[tilespmem:$0x7F0] =	vst v63  }
0x88: {  	_ =	swait.ge [sflag:s18], $0x4000  }
0x89: {  	[sflag:s18] =	ssyncset.done $0x0  }
0x8a: {  	[sflag:s18] =	ssyncadd.s32 $0xFFFFC000  }
0x8b: {  	[hbm4b:s4+s3] =	stream.linear.scatter [tilespmem:s8], [sflag:$0x7], $0x4000, $0x38;
	[tilespmem:$0x18800] =	vst v63  }
0x8c: {  	_ =	swait.ge [sflag:s19], $0x4000  }
0x8d: {  	[sflag:s19] =	ssyncset.done $0x0  }
0x8e: {  	[sflag:s19] =	ssyncadd.s32 $0xFFFFC000  }
0x8f: {  	[tilespmem:s8], [sflag:$0x1] =	stream.indirect.gather [hbm4b:s2+s6], $0x80, s20, s6, $0xb8;
	[tilespmem:$0x18800] =	vst v63  }
0x90: {  	_ =	swait.ge [sflag:s21], $0x4000  }
0x91: {  	[sflag:s21] =	ssyncset.done $0x0  }
0x92: {  	s10 =	rddreg [dreg:$0x5];
	[sflag:s21] =	ssyncadd.s32 $0xFFFFC000  }
0x93: {  	[hbm4b:s10+s3] =	stream.linear.scatter [tilespmem:s9], [sflag:$0x8], $0x4000, $0x38;
	[tilespmem:$0x18800] =	vst v63  }
0x94: {  	_ =	swait.ge [sflag:s22], $0x4000  }
0x95: {  	[sflag:s22] =	ssyncset.done $0x0  }
0x96: {  	[sflag:s22] =	ssyncadd.s32 $0xFFFFC000  }
0x97: {  	[tilespmem:s9], [sflag:$0x2] =	stream.indirect.gather [hbm4b:s2+s6], $0x80, s23, s6, $0xb8;
	[tilespmem:$0x18800] =	vst v63  }
0x98: {  	_ =	swait.ge [sflag:s24], $0x4000  }
0x99: {  	[sflag:s24] =	ssyncset.done $0x0  }
0x9a: {  	s10 =	rddreg [dreg:$0x6];
	[sflag:s24] =	ssyncadd.s32 $0xFFFFC000  }
0x9b: {  	[hbm4b:s10+s3] =	stream.linear.scatter [tilespmem:s11], [sflag:$0x9], $0x4000, $0x38;
	[tilespmem:$0x18800] =	vst v63  }
0x9c: {  	_ =	swait.ge [sflag:s25], $0x4000  }
0x9d: {  	[sflag:s25] =	ssyncset.done $0x0  }
0x9e: {  	s10 =	rddreg [dreg:$0x7];
	[sflag:s25] =	ssyncadd.s32 $0xFFFFC000  }
0x9f: {  	[hbm4b:s10+s3] =	stream.linear.scatter [tilespmem:s13], [sflag:$0xA], $0x4000, $0x38;
	[tilespmem:$0x18800] =	vst v63  }
0xa0: {  	_ =	swait.ge [sflag:s26], $0x4000  }
0xa1: {  	[sflag:s26] =	ssyncset.done $0x0  }
0xa2: {  	s10 =	rddreg [dreg:$0x8];
	[sflag:s26] =	ssyncadd.s32 $0xFFFFC000  }
0xa3: {  	[hbm4b:s10+s3] =	stream.linear.scatter [tilespmem:s15], [sflag:$0xB], $0x4000, $0x38;
	[tilespmem:$0x18800] =	vst v63  }
0xa4: {  	_ =	swait.ge [sflag:s28], $0x4000  }
0xa5: {  	[sflag:s28] =	ssyncset.done $0x0  }
0xa6: {  	s10 =	rddreg [dreg:$0x9];
	[sflag:s28] =	ssyncadd.s32 $0xFFFFC000  }
0xa7: {  	[hbm4b:s10+s3] =	stream.linear.scatter [tilespmem:s17], [sflag:$0xC], $0x4000, $0x38;
	[tilespmem:$0x18800] =	vst v63  }
0xa8: {  	_ =	swait.ge [sflag:s18], $0x4000  }
0xa9: {  	[sflag:s18] =	ssyncset.done $0x0  }
0xaa: {  	s10 =	rddreg [dreg:$0xa];
	[sflag:s18] =	ssyncadd.s32 $0xFFFFC000  }
0xab: {  	[hbm4b:s10+s3] =	stream.linear.scatter [tilespmem:s8], [sflag:$0x7], $0x4000, $0x38;
	[tilespmem:$0x18800] =	vst v63  }
0xac: {  	_ =	swait.ge [sflag:s21], $0x4000  }
0xad: {  	[sflag:s21] =	ssyncset.done $0x0  }
0xae: {  	s10 =	rddreg [dreg:$0xb];
	[sflag:s21] =	ssyncadd.s32 $0xFFFFC000  }
0xaf: {  	[hbm4b:s10+s3] =	stream.linear.scatter [tilespmem:s9], [sflag:$0x8], $0x4000, $0x38;
	[tilespmem:$0x18800] =	vst v63  }
0xb0: {  	_ =	swait.ge [sflag:s29], $0x4000  }
0xb1: {  	[sflag:s29] =	ssyncset.done $0x0  }
0xb2: {  	[sflag:s29] =	ssyncadd.s32 $0xFFFFC000  }
0xb3: {  	_ =	swait.ge [sflag:s30], $0x4000  }
0xb4: {  	[sflag:s30] =	ssyncset.done $0x0  }
0xb5: {  	[sflag:s30] =	ssyncadd.s32 $0xFFFFC000  }
0xb6: {  	_ =	swait.ge [sflag:s31], $0x4000  }
0xb7: {  	[sflag:s31] =	ssyncset.done $0x0  }
0xb8: {  	[sflag:s31] =	ssyncadd.s32 $0xFFFFC000  }
0xb9: {  	_ =	swait.ge [sflag:s1], $0x4000  }
0xba: {  	[sflag:s1] =	ssyncset.done $0x0  }
0xbb: {  	[sflag:s1] =	ssyncadd.s32 $0xFFFFC000  }
0xbc: {  	p0 =	sne.s32 s5, $0x1;
	_ =	swait.ge [sflag:s19], $0x4000  }
.Ltmp0:
0xbd: {  	[sflag:s19] =	ssyncset.done $0x0;
	(pc) =	sbr.rel @p0 .LBB2_1-.Ltmp0, $4  }
0xbe: {  	[sflag:s19] =	ssyncadd.s32 $0xFFFFC000  }
0xbf: {  	_ =	swait.ge [sflag:s22], $0x4000  }
0xc0: {  	[sflag:s22] =	ssyncset.done $0x0  }
0xc1: {  	s5 =	sadd.s32 $0xFFFFFFFF, s5;
	[sflag:s22] =	ssyncadd.s32 $0xFFFFC000  }
0xc2: {  	_ =	sfence.sel $0x180000  }
0xc3: {  	[bflag:$0x0] =	sbarrier.arrive $0xFFFF  }
0xc4: {  	_ =	strace $0x90000047  }
0xc5: {  	s0 =	stileid.u32;
	[bflag:$0x2] =	sbarrier.arrive $0xFFFF  }
0xc6: {  	p0 =	sne.s32 s0, $0x0;
	s0 =	rddreg [dreg:$0x3]  }
0xc7: {  	s0 =	sadd.s32 @!p0 $0x100000, s0  }
0xc8: {  	[sflag:s0] =	ssyncadd.tile.s32 @!p0 $0x1;
	_ =	shalt  }
.Lfunc_end2:
_tile_overlayer_lowered:
.L_overlay_start_2:
0xc9: {  	(tag) =	ssettag $0x2  }
0xca: {  	s0 =	rddreg [dreg:$0x0];
	s2 =	stileid.u32  }
0xcb: {  	s1 =	rddreg [dreg:$0x1];
	p0 =	sne.s32 s2, $0x0  }
0xcc: {  	s3 =	rddreg [dreg:$0x2];
	[bflag:$0x3] =	sbarrier.arrive $0xFFFF;
	s2 =	simm.s32 @!p0 $0x1C0D  }
0xcd: {  	[timem:s3], [sflag:s2] =	dma.local @!p0 [hbm:s0], s1  }
0xce: {  	s0 =	simm.s32 @!p0 $0xD  }
0xcf: {  	_ =	swait.ge @!p0 [sflag:s0], s1  }
0xd0: {  	s1 =	ssub.s32 @!p0 $0x0, s1;
	[sflag:s0] =	ssyncset.done @!p0 $0x0  }
0xd1: {  	[sflag:s0] =	ssyncadd.s32 @!p0 s1  }
0xd2: {  	[bflag:$0x3] =	sbarrier.arrive $0xFFFF  }
0xd3: {  	_ =	shalt  }

</sc_bundles>
